<compile_context>
chip_gen: v7x
topology: tpu7x:2x2x1
jax: 0.10.2.dev20260603
libtpu: 0.0.44.dev20260713+nightly
codegen_flags: <defaults>
</compile_context>

<pallas_src>
import functools
import jax
import jax.numpy as jnp
from jax import lax
from jax.experimental import pallas as pl
from jax.experimental.pallas import tpu as pltpu, tpu_sc as plsc

CH = 32


def kernel(inputs, table):
    b, l = inputs.shape
    d = table.shape[1]
    nw = 32
    rpw = l // nw
    nch = rpw // CH
    mesh = plsc.VectorSubcoreMesh(core_axis_name="c", subcore_axis_name="s")

    @functools.partial(
        pl.kernel,
        mesh=mesh,
        out_type=jax.ShapeDtypeStruct((b, l, d), table.dtype),
        scratch_types=[
            pltpu.VMEM((CH, d), table.dtype),
            pltpu.VMEM((CH, d), table.dtype),
            pltpu.SemaphoreType.DMA((2,)),
            pltpu.SemaphoreType.DMA((2,)),
        ],
    )
    def k(table_hbm, out_hbm, buf0, buf1, sin, sout):
        bufs = (buf0, buf1)
        wid = lax.axis_index("s") * 2 + lax.axis_index("c")
        base = wid * rpw

        def start_in(c):
            return pltpu.async_copy(
                table_hbm.at[pl.ds(base + c * CH, CH)], bufs[c % 2], sin.at[c % 2]
            )

        in_cp = [None] * nch
        out_cps = [None] * nch
        in_cp[0] = start_in(0)
        for c in range(nch):
            p = c % 2
            in_cp[c].wait()
            if c + 1 < nch:
                if c - 1 >= 0:
                    for cp in out_cps[c - 1]:
                        cp.wait()
                in_cp[c + 1] = start_in(c + 1)
            out_cps[c] = [
                pltpu.async_copy(
                    bufs[p], out_hbm.at[bi, pl.ds(base + c * CH, CH)], sout.at[p]
                )
                for bi in range(b)
            ]
        for cc in range(max(nch - 2, 0), nch):
            for cp in out_cps[cc]:
                cp.wait()

    return k(table)

# --- scband reference (transcript-rebuilt; emitter-appended) ---
"""Pipeline reference for scband-position-embedding-2293512536232 (READ-ONLY COPY).

The authoritative reference and input builder live on the scoring server;
editing this copy changes nothing except your own understanding.
"""

import jax, jax.numpy as jnp
import numpy as np

MAXLEN = 4096
OUTPUT_DIM = 1024
B = 4
L = 4096

def setup_inputs(seed: int = 0) -> dict:
    key = jax.random.key(seed)
    k1, k2 = jax.random.split(key)
    inputs = jax.random.randint(k1, (B, L), 0, 1000, dtype=jnp.int64)
    # embedding table for positions 0..maxlen (maxlen+1 rows), keras default uniform init
    table = jax.random.uniform(k2, (MAXLEN + 1, OUTPUT_DIM), dtype=jnp.float32, minval=-0.05, maxval=0.05)
    return {"inputs": inputs, "table": table}

def reference(inputs, table):
    # positions based on dynamic seq length of inputs
    b = inputs.shape[0]
    l = inputs.shape[1]
    positions = jnp.arange(l)
    emb = jnp.take(table, positions, axis=0)          # [L, D] gather
    emb = emb[jnp.newaxis, :, :]                      # [1, L, D]
    emb = jnp.tile(emb, (b, 1, 1))                    # [B, L, D]
    # dropout with training=False -> identity
    return emb

if __name__ == "__main__":
    import jax
    _d = setup_inputs()
    print(jax.jit(kernel)(*tuple(_d.values())))

</pallas_src>

<mosaic_0001>
#map = affine_map<(d0, d1) -> (0, 0)>
#map1 = affine_map<(d0, d1) -> (0, 0, 0)>
module attributes {stable_mosaic.version = 14 : i64} {
  func.func @k(%arg0: i32, %arg1: i32, %arg2: memref<4097x1024xf32, #tpu.memory_space<hbm>>, %arg3: memref<4x4096x1024xf32, #tpu.memory_space<hbm>>, %arg4: memref<32x1024xf32, #tpu.memory_space<vmem>>, %arg5: memref<32x1024xf32, #tpu.memory_space<vmem>>, %arg6: memref<2x!tpu.dma_semaphore, #tpu.memory_space<semaphore_mem>>, %arg7: memref<2x!tpu.dma_semaphore, #tpu.memory_space<semaphore_mem>>) attributes {dimension_semantics = [#tpu.dimension_semantics<core_parallel>, #tpu.dimension_semantics<subcore_parallel>], iteration_bounds = array<i64: 2, 16>, scalar_prefetch = 0 : i64, scratch_operands = 4 : i64, tpu.core_type = #tpu.core_type<sc_vector_subcore>, window_params = [{transform_indices = #map}, {transform_indices = #map1}]} {
    %mul3A = arith.constant 2 : i32
    %mul3A_0 = arith.muli %arg1, %mul3A : i32
    %add3A = arith.addi %mul3A_0, %arg0 : i32
    %mul3A_1 = arith.constant 128 : i32
    %mul3A_2 = arith.muli %add3A, %mul3A_1 : i32
    %add3A_3 = arith.constant 0 : i32
    %add3A_4 = arith.addi %mul3A_2, %add3A_3 : i32
    %dma_start3A = arith.constant 0 : i32
    %dma_start3A_5 = arith.constant 0 : i32
    %dma_start3A_6 = tpu.memref_slice %arg2[%add3A_4, %dma_start3A_5] : memref<4097x1024xf32, #tpu.memory_space<hbm>> -> memref<32x1024xf32, #tpu.memory_space<hbm>>
    %dma_start3A_7 = tpu.memref_slice %arg6[%dma_start3A] : memref<2x!tpu.dma_semaphore, #tpu.memory_space<semaphore_mem>> -> memref<1x!tpu.dma_semaphore, #tpu.memory_space<semaphore_mem>>
    %dma_start3A_8 = tpu.memref_squeeze %dma_start3A_7 : memref<1x!tpu.dma_semaphore, #tpu.memory_space<semaphore_mem>> -> memref<!tpu.dma_semaphore, #tpu.memory_space<semaphore_mem>>
    %dma_start3A_9 = arith.constant 0 : i32
    %dma_start3A_10 = tpu.memref_slice %arg2[%add3A_4, %dma_start3A_9] : memref<4097x1024xf32, #tpu.memory_space<hbm>> -> memref<32x1024xf32, #tpu.memory_space<hbm>>
    tpu.enqueue_dma source(%dma_start3A_10 : memref<32x1024xf32, #tpu.memory_space<hbm>>) target(%arg4 : memref<32x1024xf32, #tpu.memory_space<vmem>>) target_semaphore(%dma_start3A_8 : memref<!tpu.dma_semaphore, #tpu.memory_space<semaphore_mem>>)
    %dma_wait3A = arith.constant 0 : i32
    %dma_wait3A_11 = arith.constant 0 : i32
    %dma_wait3A_12 = tpu.memref_slice %arg2[%add3A_4, %dma_wait3A_11] : memref<4097x1024xf32, #tpu.memory_space<hbm>> -> memref<32x1024xf32, #tpu.memory_space<hbm>>
    %dma_wait3A_13 = tpu.memref_slice %arg6[%dma_wait3A] : memref<2x!tpu.dma_semaphore, #tpu.memory_space<semaphore_mem>> -> memref<1x!tpu.dma_semaphore, #tpu.memory_space<semaphore_mem>>
    %dma_wait3A_14 = tpu.memref_squeeze %dma_wait3A_13 : memref<1x!tpu.dma_semaphore, #tpu.memory_space<semaphore_mem>> -> memref<!tpu.dma_semaphore, #tpu.memory_space<semaphore_mem>>
    %dma_wait3A_15 = arith.constant 0 : i32
    %dma_wait3A_16 = tpu.memref_slice %arg2[%add3A_4, %dma_wait3A_15] : memref<4097x1024xf32, #tpu.memory_space<hbm>> -> memref<32x1024xf32, #tpu.memory_space<hbm>>
    tpu.wait_dma2 semaphore(%dma_wait3A_14 : memref<!tpu.dma_semaphore, #tpu.memory_space<semaphore_mem>>) src(%dma_wait3A_16 : memref<32x1024xf32, #tpu.memory_space<hbm>>) dst(%arg4 : memref<32x1024xf32, #tpu.memory_space<vmem>>)
    %add3A_17 = arith.constant 32 : i32
    %add3A_18 = arith.addi %mul3A_2, %add3A_17 : i32
    %dma_start3A_19 = arith.constant 1 : i32
    %dma_start3A_20 = arith.constant 0 : i32
    %dma_start3A_21 = tpu.memref_slice %arg2[%add3A_18, %dma_start3A_20] : memref<4097x1024xf32, #tpu.memory_space<hbm>> -> memref<32x1024xf32, #tpu.memory_space<hbm>>
    %dma_start3A_22 = tpu.memref_slice %arg6[%dma_start3A_19] : memref<2x!tpu.dma_semaphore, #tpu.memory_space<semaphore_mem>> -> memref<1x!tpu.dma_semaphore, #tpu.memory_space<semaphore_mem>>
    %dma_start3A_23 = tpu.memref_squeeze %dma_start3A_22 : memref<1x!tpu.dma_semaphore, #tpu.memory_space<semaphore_mem>> -> memref<!tpu.dma_semaphore, #tpu.memory_space<semaphore_mem>>
    %dma_start3A_24 = arith.constant 0 : i32
    %dma_start3A_25 = tpu.memref_slice %arg2[%add3A_18, %dma_start3A_24] : memref<4097x1024xf32, #tpu.memory_space<hbm>> -> memref<32x1024xf32, #tpu.memory_space<hbm>>
    tpu.enqueue_dma source(%dma_start3A_25 : memref<32x1024xf32, #tpu.memory_space<hbm>>) target(%arg5 : memref<32x1024xf32, #tpu.memory_space<vmem>>) target_semaphore(%dma_start3A_23 : memref<!tpu.dma_semaphore, #tpu.memory_space<semaphore_mem>>)
    %add3A_26 = arith.constant 0 : i32
    %add3A_27 = arith.addi %mul3A_2, %add3A_26 : i32
    %dma_start3A_28 = arith.constant 0 : i32
    %dma_start3A_29 = arith.constant 0 : i32
    %dma_start3A_30 = arith.constant 0 : i32
    %dma_start3A_31 = tpu.memref_slice %arg3[%dma_start3A_28, %add3A_27, %dma_start3A_30] : memref<4x4096x1024xf32, #tpu.memory_space<hbm>> -> memref<1x32x1024xf32, #tpu.memory_space<hbm>>
    %dma_start3A_32 = tpu.memref_squeeze %dma_start3A_31 : memref<1x32x1024xf32, #tpu.memory_space<hbm>> -> memref<32x1024xf32, #tpu.memory_space<hbm>>
    %dma_start3A_33 = tpu.memref_slice %arg7[%dma_start3A_29] : memref<2x!tpu.dma_semaphore, #tpu.memory_space<semaphore_mem>> -> memref<1x!tpu.dma_semaphore, #tpu.memory_space<semaphore_mem>>
    %dma_start3A_34 = tpu.memref_squeeze %dma_start3A_33 : memref<1x!tpu.dma_semaphore, #tpu.memory_space<semaphore_mem>> -> memref<!tpu.dma_semaphore, #tpu.memory_space<semaphore_mem>>
    %dma_start3A_35 = arith.constant 0 : i32
    %dma_start3A_36 = tpu.memref_slice %arg3[%dma_start3A_28, %add3A_27, %dma_start3A_35] : memref<4x4096x1024xf32, #tpu.memory_space<hbm>> -> memref<1x32x1024xf32, #tpu.memory_space<hbm>>
    %dma_start3A_37 = tpu.memref_squeeze %dma_start3A_36 : memref<1x32x1024xf32, #tpu.memory_space<hbm>> -> memref<32x1024xf32, #tpu.memory_space<hbm>>
    tpu.enqueue_dma source(%arg4 : memref<32x1024xf32, #tpu.memory_space<vmem>>) target(%dma_start3A_37 : memref<32x1024xf32, #tpu.memory_space<hbm>>) target_semaphore(%dma_start3A_34 : memref<!tpu.dma_semaphore, #tpu.memory_space<semaphore_mem>>)
    %add3A_38 = arith.constant 0 : i32
    %add3A_39 = arith.addi %mul3A_2, %add3A_38 : i32
    %dma_start3A_40 = arith.constant 1 : i32
    %dma_start3A_41 = arith.constant 0 : i32
    %dma_start3A_42 = arith.constant 0 : i32
    %dma_start3A_43 = tpu.memref_slice %arg3[%dma_start3A_40, %add3A_39, %dma_start3A_42] : memref<4x4096x1024xf32, #tpu.memory_space<hbm>> -> memref<1x32x1024xf32, #tpu.memory_space<hbm>>
    %dma_start3A_44 = tpu.memref_squeeze %dma_start3A_43 : memref<1x32x1024xf32, #tpu.memory_space<hbm>> -> memref<32x1024xf32, #tpu.memory_space<hbm>>
    %dma_start3A_45 = tpu.memref_slice %arg7[%dma_start3A_41] : memref<2x!tpu.dma_semaphore, #tpu.memory_space<semaphore_mem>> -> memref<1x!tpu.dma_semaphore, #tpu.memory_space<semaphore_mem>>
    %dma_start3A_46 = tpu.memref_squeeze %dma_start3A_45 : memref<1x!tpu.dma_semaphore, #tpu.memory_space<semaphore_mem>> -> memref<!tpu.dma_semaphore, #tpu.memory_space<semaphore_mem>>
    %dma_start3A_47 = arith.constant 0 : i32
    %dma_start3A_48 = tpu.memref_slice %arg3[%dma_start3A_40, %add3A_39, %dma_start3A_47] : memref<4x4096x1024xf32, #tpu.memory_space<hbm>> -> memref<1x32x1024xf32, #tpu.memory_space<hbm>>
    %dma_start3A_49 = tpu.memref_squeeze %dma_start3A_48 : memref<1x32x1024xf32, #tpu.memory_space<hbm>> -> memref<32x1024xf32, #tpu.memory_space<hbm>>
    tpu.enqueue_dma source(%arg4 : memref<32x1024xf32, #tpu.memory_space<vmem>>) target(%dma_start3A_49 : memref<32x1024xf32, #tpu.memory_space<hbm>>) target_semaphore(%dma_start3A_46 : memref<!tpu.dma_semaphore, #tpu.memory_space<semaphore_mem>>)
    %add3A_50 = arith.constant 0 : i32
    %add3A_51 = arith.addi %mul3A_2, %add3A_50 : i32
    %dma_start3A_52 = arith.constant 2 : i32
    %dma_start3A_53 = arith.constant 0 : i32
    %dma_start3A_54 = arith.constant 0 : i32
    %dma_start3A_55 = tpu.memref_slice %arg3[%dma_start3A_52, %add3A_51, %dma_start3A_54] : memref<4x4096x1024xf32, #tpu.memory_space<hbm>> -> memref<1x32x1024xf32, #tpu.memory_space<hbm>>
    %dma_start3A_56 = tpu.memref_squeeze %dma_start3A_55 : memref<1x32x1024xf32, #tpu.memory_space<hbm>> -> memref<32x1024xf32, #tpu.memory_space<hbm>>
    %dma_start3A_57 = tpu.memref_slice %arg7[%dma_start3A_53] : memref<2x!tpu.dma_semaphore, #tpu.memory_space<semaphore_mem>> -> memref<1x!tpu.dma_semaphore, #tpu.memory_space<semaphore_mem>>
    %dma_start3A_58 = tpu.memref_squeeze %dma_start3A_57 : memref<1x!tpu.dma_semaphore, #tpu.memory_space<semaphore_mem>> -> memref<!tpu.dma_semaphore, #tpu.memory_space<semaphore_mem>>
    %dma_start3A_59 = arith.constant 0 : i32
    %dma_start3A_60 = tpu.memref_slice %arg3[%dma_start3A_52, %add3A_51, %dma_start3A_59] : memref<4x4096x1024xf32, #tpu.memory_space<hbm>> -> memref<1x32x1024xf32, #tpu.memory_space<hbm>>
    %dma_start3A_61 = tpu.memref_squeeze %dma_start3A_60 : memref<1x32x1024xf32, #tpu.memory_space<hbm>> -> memref<32x1024xf32, #tpu.memory_space<hbm>>
    tpu.enqueue_dma source(%arg4 : memref<32x1024xf32, #tpu.memory_space<vmem>>) target(%dma_start3A_61 : memref<32x1024xf32, #tpu.memory_space<hbm>>) target_semaphore(%dma_start3A_58 : memref<!tpu.dma_semaphore, #tpu.memory_space<semaphore_mem>>)
    %add3A_62 = arith.constant 0 : i32
    %add3A_63 = arith.addi %mul3A_2, %add3A_62 : i32
    %dma_start3A_64 = arith.constant 3 : i32
    %dma_start3A_65 = arith.constant 0 : i32
    %dma_start3A_66 = arith.constant 0 : i32
    %dma_start3A_67 = tpu.memref_slice %arg3[%dma_start3A_64, %add3A_63, %dma_start3A_66] : memref<4x4096x1024xf32, #tpu.memory_space<hbm>> -> memref<1x32x1024xf32, #tpu.memory_space<hbm>>
    %dma_start3A_68 = tpu.memref_squeeze %dma_start3A_67 : memref<1x32x1024xf32, #tpu.memory_space<hbm>> -> memref<32x1024xf32, #tpu.memory_space<hbm>>
    %dma_start3A_69 = tpu.memref_slice %arg7[%dma_start3A_65] : memref<2x!tpu.dma_semaphore, #tpu.memory_space<semaphore_mem>> -> memref<1x!tpu.dma_semaphore, #tpu.memory_space<semaphore_mem>>
    %dma_start3A_70 = tpu.memref_squeeze %dma_start3A_69 : memref<1x!tpu.dma_semaphore, #tpu.memory_space<semaphore_mem>> -> memref<!tpu.dma_semaphore, #tpu.memory_space<semaphore_mem>>
    %dma_start3A_71 = arith.constant 0 : i32
    %dma_start3A_72 = tpu.memref_slice %arg3[%dma_start3A_64, %add3A_63, %dma_start3A_71] : memref<4x4096x1024xf32, #tpu.memory_space<hbm>> -> memref<1x32x1024xf32, #tpu.memory_space<hbm>>
    %dma_start3A_73 = tpu.memref_squeeze %dma_start3A_72 : memref<1x32x1024xf32, #tpu.memory_space<hbm>> -> memref<32x1024xf32, #tpu.memory_space<hbm>>
    tpu.enqueue_dma source(%arg4 : memref<32x1024xf32, #tpu.memory_space<vmem>>) target(%dma_start3A_73 : memref<32x1024xf32, #tpu.memory_space<hbm>>) target_semaphore(%dma_start3A_70 : memref<!tpu.dma_semaphore, #tpu.memory_space<semaphore_mem>>)
    %dma_wait3A_74 = arith.constant 1 : i32
    %dma_wait3A_75 = arith.constant 0 : i32
    %dma_wait3A_76 = tpu.memref_slice %arg2[%add3A_18, %dma_wait3A_75] : memref<4097x1024xf32, #tpu.memory_space<hbm>> -> memref<32x1024xf32, #tpu.memory_space<hbm>>
    %dma_wait3A_77 = tpu.memref_slice %arg6[%dma_wait3A_74] : memref<2x!tpu.dma_semaphore, #tpu.memory_space<semaphore_mem>> -> memref<1x!tpu.dma_semaphore, #tpu.memory_space<semaphore_mem>>
    %dma_wait3A_78 = tpu.memref_squeeze %dma_wait3A_77 : memref<1x!tpu.dma_semaphore, #tpu.memory_space<semaphore_mem>> -> memref<!tpu.dma_semaphore, #tpu.memory_space<semaphore_mem>>
    %dma_wait3A_79 = arith.constant 0 : i32
    %dma_wait3A_80 = tpu.memref_slice %arg2[%add3A_18, %dma_wait3A_79] : memref<4097x1024xf32, #tpu.memory_space<hbm>> -> memref<32x1024xf32, #tpu.memory_space<hbm>>
    tpu.wait_dma2 semaphore(%dma_wait3A_78 : memref<!tpu.dma_semaphore, #tpu.memory_space<semaphore_mem>>) src(%dma_wait3A_80 : memref<32x1024xf32, #tpu.memory_space<hbm>>) dst(%arg5 : memref<32x1024xf32, #tpu.memory_space<vmem>>)
    %dma_wait3A_81 = arith.constant 0 : i32
    %dma_wait3A_82 = arith.constant 0 : i32
    %dma_wait3A_83 = arith.constant 0 : i32
    %dma_wait3A_84 = tpu.memref_slice %arg3[%dma_wait3A_81, %add3A_27, %dma_wait3A_83] : memref<4x4096x1024xf32, #tpu.memory_space<hbm>> -> memref<1x32x1024xf32, #tpu.memory_space<hbm>>
    %dma_wait3A_85 = tpu.memref_squeeze %dma_wait3A_84 : memref<1x32x1024xf32, #tpu.memory_space<hbm>> -> memref<32x1024xf32, #tpu.memory_space<hbm>>
    %dma_wait3A_86 = tpu.memref_slice %arg7[%dma_wait3A_82] : memref<2x!tpu.dma_semaphore, #tpu.memory_space<semaphore_mem>> -> memref<1x!tpu.dma_semaphore, #tpu.memory_space<semaphore_mem>>
    %dma_wait3A_87 = tpu.memref_squeeze %dma_wait3A_86 : memref<1x!tpu.dma_semaphore, #tpu.memory_space<semaphore_mem>> -> memref<!tpu.dma_semaphore, #tpu.memory_space<semaphore_mem>>
    %dma_wait3A_88 = arith.constant 0 : i32
    %dma_wait3A_89 = tpu.memref_slice %arg3[%dma_wait3A_81, %add3A_27, %dma_wait3A_88] : memref<4x4096x1024xf32, #tpu.memory_space<hbm>> -> memref<1x32x1024xf32, #tpu.memory_space<hbm>>
    %dma_wait3A_90 = tpu.memref_squeeze %dma_wait3A_89 : memref<1x32x1024xf32, #tpu.memory_space<hbm>> -> memref<32x1024xf32, #tpu.memory_space<hbm>>
    tpu.wait_dma2 semaphore(%dma_wait3A_87 : memref<!tpu.dma_semaphore, #tpu.memory_space<semaphore_mem>>) src(%arg4 : memref<32x1024xf32, #tpu.memory_space<vmem>>) dst(%dma_wait3A_90 : memref<32x1024xf32, #tpu.memory_space<hbm>>)
    %dma_wait3A_91 = arith.constant 1 : i32
    %dma_wait3A_92 = arith.constant 0 : i32
    %dma_wait3A_93 = arith.constant 0 : i32
    %dma_wait3A_94 = tpu.memref_slice %arg3[%dma_wait3A_91, %add3A_39, %dma_wait3A_93] : memref<4x4096x1024xf32, #tpu.memory_space<hbm>> -> memref<1x32x1024xf32, #tpu.memory_space<hbm>>
    %dma_wait3A_95 = tpu.memref_squeeze %dma_wait3A_94 : memref<1x32x1024xf32, #tpu.memory_space<hbm>> -> memref<32x1024xf32, #tpu.memory_space<hbm>>
    %dma_wait3A_96 = tpu.memref_slice %arg7[%dma_wait3A_92] : memref<2x!tpu.dma_semaphore, #tpu.memory_space<semaphore_mem>> -> memref<1x!tpu.dma_semaphore, #tpu.memory_space<semaphore_mem>>
    %dma_wait3A_97 = tpu.memref_squeeze %dma_wait3A_96 : memref<1x!tpu.dma_semaphore, #tpu.memory_space<semaphore_mem>> -> memref<!tpu.dma_semaphore, #tpu.memory_space<semaphore_mem>>
    %dma_wait3A_98 = arith.constant 0 : i32
    %dma_wait3A_99 = tpu.memref_slice %arg3[%dma_wait3A_91, %add3A_39, %dma_wait3A_98] : memref<4x4096x1024xf32, #tpu.memory_space<hbm>> -> memref<1x32x1024xf32, #tpu.memory_space<hbm>>
    %dma_wait3A_100 = tpu.memref_squeeze %dma_wait3A_99 : memref<1x32x1024xf32, #tpu.memory_space<hbm>> -> memref<32x1024xf32, #tpu.memory_space<hbm>>
    tpu.wait_dma2 semaphore(%dma_wait3A_97 : memref<!tpu.dma_semaphore, #tpu.memory_space<semaphore_mem>>) src(%arg4 : memref<32x1024xf32, #tpu.memory_space<vmem>>) dst(%dma_wait3A_100 : memref<32x1024xf32, #tpu.memory_space<hbm>>)
    %dma_wait3A_101 = arith.constant 2 : i32
    %dma_wait3A_102 = arith.constant 0 : i32
    %dma_wait3A_103 = arith.constant 0 : i32
    %dma_wait3A_104 = tpu.memref_slice %arg3[%dma_wait3A_101, %add3A_51, %dma_wait3A_103] : memref<4x4096x1024xf32, #tpu.memory_space<hbm>> -> memref<1x32x1024xf32, #tpu.memory_space<hbm>>
    %dma_wait3A_105 = tpu.memref_squeeze %dma_wait3A_104 : memref<1x32x1024xf32, #tpu.memory_space<hbm>> -> memref<32x1024xf32, #tpu.memory_space<hbm>>
    %dma_wait3A_106 = tpu.memref_slice %arg7[%dma_wait3A_102] : memref<2x!tpu.dma_semaphore, #tpu.memory_space<semaphore_mem>> -> memref<1x!tpu.dma_semaphore, #tpu.memory_space<semaphore_mem>>
    %dma_wait3A_107 = tpu.memref_squeeze %dma_wait3A_106 : memref<1x!tpu.dma_semaphore, #tpu.memory_space<semaphore_mem>> -> memref<!tpu.dma_semaphore, #tpu.memory_space<semaphore_mem>>
    %dma_wait3A_108 = arith.constant 0 : i32
    %dma_wait3A_109 = tpu.memref_slice %arg3[%dma_wait3A_101, %add3A_51, %dma_wait3A_108] : memref<4x4096x1024xf32, #tpu.memory_space<hbm>> -> memref<1x32x1024xf32, #tpu.memory_space<hbm>>
    %dma_wait3A_110 = tpu.memref_squeeze %dma_wait3A_109 : memref<1x32x1024xf32, #tpu.memory_space<hbm>> -> memref<32x1024xf32, #tpu.memory_space<hbm>>
    tpu.wait_dma2 semaphore(%dma_wait3A_107 : memref<!tpu.dma_semaphore, #tpu.memory_space<semaphore_mem>>) src(%arg4 : memref<32x1024xf32, #tpu.memory_space<vmem>>) dst(%dma_wait3A_110 : memref<32x1024xf32, #tpu.memory_space<hbm>>)
    %dma_wait3A_111 = arith.constant 3 : i32
    %dma_wait3A_112 = arith.constant 0 : i32
    %dma_wait3A_113 = arith.constant 0 : i32
    %dma_wait3A_114 = tpu.memref_slice %arg3[%dma_wait3A_111, %add3A_63, %dma_wait3A_113] : memref<4x4096x1024xf32, #tpu.memory_space<hbm>> -> memref<1x32x1024xf32, #tpu.memory_space<hbm>>
    %dma_wait3A_115 = tpu.memref_squeeze %dma_wait3A_114 : memref<1x32x1024xf32, #tpu.memory_space<hbm>> -> memref<32x1024xf32, #tpu.memory_space<hbm>>
    %dma_wait3A_116 = tpu.memref_slice %arg7[%dma_wait3A_112] : memref<2x!tpu.dma_semaphore, #tpu.memory_space<semaphore_mem>> -> memref<1x!tpu.dma_semaphore, #tpu.memory_space<semaphore_mem>>
    %dma_wait3A_117 = tpu.memref_squeeze %dma_wait3A_116 : memref<1x!tpu.dma_semaphore, #tpu.memory_space<semaphore_mem>> -> memref<!tpu.dma_semaphore, #tpu.memory_space<semaphore_mem>>
    %dma_wait3A_118 = arith.constant 0 : i32
    %dma_wait3A_119 = tpu.memref_slice %arg3[%dma_wait3A_111, %add3A_63, %dma_wait3A_118] : memref<4x4096x1024xf32, #tpu.memory_space<hbm>> -> memref<1x32x1024xf32, #tpu.memory_space<hbm>>
    %dma_wait3A_120 = tpu.memref_squeeze %dma_wait3A_119 : memref<1x32x1024xf32, #tpu.memory_space<hbm>> -> memref<32x1024xf32, #tpu.memory_space<hbm>>
    tpu.wait_dma2 semaphore(%dma_wait3A_117 : memref<!tpu.dma_semaphore, #tpu.memory_space<semaphore_mem>>) src(%arg4 : memref<32x1024xf32, #tpu.memory_space<vmem>>) dst(%dma_wait3A_120 : memref<32x1024xf32, #tpu.memory_space<hbm>>)
    %add3A_121 = arith.constant 64 : i32
    %add3A_122 = arith.addi %mul3A_2, %add3A_121 : i32
    %dma_start3A_123 = arith.constant 0 : i32
    %dma_start3A_124 = arith.constant 0 : i32
    %dma_start3A_125 = tpu.memref_slice %arg2[%add3A_122, %dma_start3A_124] : memref<4097x1024xf32, #tpu.memory_space<hbm>> -> memref<32x1024xf32, #tpu.memory_space<hbm>>
    %dma_start3A_126 = tpu.memref_slice %arg6[%dma_start3A_123] : memref<2x!tpu.dma_semaphore, #tpu.memory_space<semaphore_mem>> -> memref<1x!tpu.dma_semaphore, #tpu.memory_space<semaphore_mem>>
    %dma_start3A_127 = tpu.memref_squeeze %dma_start3A_126 : memref<1x!tpu.dma_semaphore, #tpu.memory_space<semaphore_mem>> -> memref<!tpu.dma_semaphore, #tpu.memory_space<semaphore_mem>>
    %dma_start3A_128 = arith.constant 0 : i32
    %dma_start3A_129 = tpu.memref_slice %arg2[%add3A_122, %dma_start3A_128] : memref<4097x1024xf32, #tpu.memory_space<hbm>> -> memref<32x1024xf32, #tpu.memory_space<hbm>>
    tpu.enqueue_dma source(%dma_start3A_129 : memref<32x1024xf32, #tpu.memory_space<hbm>>) target(%arg4 : memref<32x1024xf32, #tpu.memory_space<vmem>>) target_semaphore(%dma_start3A_127 : memref<!tpu.dma_semaphore, #tpu.memory_space<semaphore_mem>>)
    %add3A_130 = arith.constant 32 : i32
    %add3A_131 = arith.addi %mul3A_2, %add3A_130 : i32
    %dma_start3A_132 = arith.constant 0 : i32
    %dma_start3A_133 = arith.constant 1 : i32
    %dma_start3A_134 = arith.constant 0 : i32
    %dma_start3A_135 = tpu.memref_slice %arg3[%dma_start3A_132, %add3A_131, %dma_start3A_134] : memref<4x4096x1024xf32, #tpu.memory_space<hbm>> -> memref<1x32x1024xf32, #tpu.memory_space<hbm>>
    %dma_start3A_136 = tpu.memref_squeeze %dma_start3A_135 : memref<1x32x1024xf32, #tpu.memory_space<hbm>> -> memref<32x1024xf32, #tpu.memory_space<hbm>>
    %dma_start3A_137 = tpu.memref_slice %arg7[%dma_start3A_133] : memref<2x!tpu.dma_semaphore, #tpu.memory_space<semaphore_mem>> -> memref<1x!tpu.dma_semaphore, #tpu.memory_space<semaphore_mem>>
    %dma_start3A_138 = tpu.memref_squeeze %dma_start3A_137 : memref<1x!tpu.dma_semaphore, #tpu.memory_space<semaphore_mem>> -> memref<!tpu.dma_semaphore, #tpu.memory_space<semaphore_mem>>
    %dma_start3A_139 = arith.constant 0 : i32
    %dma_start3A_140 = tpu.memref_slice %arg3[%dma_start3A_132, %add3A_131, %dma_start3A_139] : memref<4x4096x1024xf32, #tpu.memory_space<hbm>> -> memref<1x32x1024xf32, #tpu.memory_space<hbm>>
    %dma_start3A_141 = tpu.memref_squeeze %dma_start3A_140 : memref<1x32x1024xf32, #tpu.memory_space<hbm>> -> memref<32x1024xf32, #tpu.memory_space<hbm>>
    tpu.enqueue_dma source(%arg5 : memref<32x1024xf32, #tpu.memory_space<vmem>>) target(%dma_start3A_141 : memref<32x1024xf32, #tpu.memory_space<hbm>>) target_semaphore(%dma_start3A_138 : memref<!tpu.dma_semaphore, #tpu.memory_space<semaphore_mem>>)
    %add3A_142 = arith.constant 32 : i32
    %add3A_143 = arith.addi %mul3A_2, %add3A_142 : i32
    %dma_start3A_144 = arith.constant 1 : i32
    %dma_start3A_145 = arith.constant 1 : i32
    %dma_start3A_146 = arith.constant 0 : i32
    %dma_start3A_147 = tpu.memref_slice %arg3[%dma_start3A_144, %add3A_143, %dma_start3A_146] : memref<4x4096x1024xf32, #tpu.memory_space<hbm>> -> memref<1x32x1024xf32, #tpu.memory_space<hbm>>
    %dma_start3A_148 = tpu.memref_squeeze %dma_start3A_147 : memref<1x32x1024xf32, #tpu.memory_space<hbm>> -> memref<32x1024xf32, #tpu.memory_space<hbm>>
    %dma_start3A_149 = tpu.memref_slice %arg7[%dma_start3A_145] : memref<2x!tpu.dma_semaphore, #tpu.memory_space<semaphore_mem>> -> memref<1x!tpu.dma_semaphore, #tpu.memory_space<semaphore_mem>>
    %dma_start3A_150 = tpu.memref_squeeze %dma_start3A_149 : memref<1x!tpu.dma_semaphore, #tpu.memory_space<semaphore_mem>> -> memref<!tpu.dma_semaphore, #tpu.memory_space<semaphore_mem>>
    %dma_start3A_151 = arith.constant 0 : i32
    %dma_start3A_152 = tpu.memref_slice %arg3[%dma_start3A_144, %add3A_143, %dma_start3A_151] : memref<4x4096x1024xf32, #tpu.memory_space<hbm>> -> memref<1x32x1024xf32, #tpu.memory_space<hbm>>
    %dma_start3A_153 = tpu.memref_squeeze %dma_start3A_152 : memref<1x32x1024xf32, #tpu.memory_space<hbm>> -> memref<32x1024xf32, #tpu.memory_space<hbm>>
    tpu.enqueue_dma source(%arg5 : memref<32x1024xf32, #tpu.memory_space<vmem>>) target(%dma_start3A_153 : memref<32x1024xf32, #tpu.memory_space<hbm>>) target_semaphore(%dma_start3A_150 : memref<!tpu.dma_semaphore, #tpu.memory_space<semaphore_mem>>)
    %add3A_154 = arith.constant 32 : i32
    %add3A_155 = arith.addi %mul3A_2, %add3A_154 : i32
    %dma_start3A_156 = arith.constant 2 : i32
    %dma_start3A_157 = arith.constant 1 : i32
    %dma_start3A_158 = arith.constant 0 : i32
    %dma_start3A_159 = tpu.memref_slice %arg3[%dma_start3A_156, %add3A_155, %dma_start3A_158] : memref<4x4096x1024xf32, #tpu.memory_space<hbm>> -> memref<1x32x1024xf32, #tpu.memory_space<hbm>>
    %dma_start3A_160 = tpu.memref_squeeze %dma_start3A_159 : memref<1x32x1024xf32, #tpu.memory_space<hbm>> -> memref<32x1024xf32, #tpu.memory_space<hbm>>
    %dma_start3A_161 = tpu.memref_slice %arg7[%dma_start3A_157] : memref<2x!tpu.dma_semaphore, #tpu.memory_space<semaphore_mem>> -> memref<1x!tpu.dma_semaphore, #tpu.memory_space<semaphore_mem>>
    %dma_start3A_162 = tpu.memref_squeeze %dma_start3A_161 : memref<1x!tpu.dma_semaphore, #tpu.memory_space<semaphore_mem>> -> memref<!tpu.dma_semaphore, #tpu.memory_space<semaphore_mem>>
    %dma_start3A_163 = arith.constant 0 : i32
    %dma_start3A_164 = tpu.memref_slice %arg3[%dma_start3A_156, %add3A_155, %dma_start3A_163] : memref<4x4096x1024xf32, #tpu.memory_space<hbm>> -> memref<1x32x1024xf32, #tpu.memory_space<hbm>>
    %dma_start3A_165 = tpu.memref_squeeze %dma_start3A_164 : memref<1x32x1024xf32, #tpu.memory_space<hbm>> -> memref<32x1024xf32, #tpu.memory_space<hbm>>
    tpu.enqueue_dma source(%arg5 : memref<32x1024xf32, #tpu.memory_space<vmem>>) target(%dma_start3A_165 : memref<32x1024xf32, #tpu.memory_space<hbm>>) target_semaphore(%dma_start3A_162 : memref<!tpu.dma_semaphore, #tpu.memory_space<semaphore_mem>>)
    %add3A_166 = arith.constant 32 : i32
    %add3A_167 = arith.addi %mul3A_2, %add3A_166 : i32
    %dma_start3A_168 = arith.constant 3 : i32
    %dma_start3A_169 = arith.constant 1 : i32
    %dma_start3A_170 = arith.constant 0 : i32
    %dma_start3A_171 = tpu.memref_slice %arg3[%dma_start3A_168, %add3A_167, %dma_start3A_170] : memref<4x4096x1024xf32, #tpu.memory_space<hbm>> -> memref<1x32x1024xf32, #tpu.memory_space<hbm>>
    %dma_start3A_172 = tpu.memref_squeeze %dma_start3A_171 : memref<1x32x1024xf32, #tpu.memory_space<hbm>> -> memref<32x1024xf32, #tpu.memory_space<hbm>>
    %dma_start3A_173 = tpu.memref_slice %arg7[%dma_start3A_169] : memref<2x!tpu.dma_semaphore, #tpu.memory_space<semaphore_mem>> -> memref<1x!tpu.dma_semaphore, #tpu.memory_space<semaphore_mem>>
    %dma_start3A_174 = tpu.memref_squeeze %dma_start3A_173 : memref<1x!tpu.dma_semaphore, #tpu.memory_space<semaphore_mem>> -> memref<!tpu.dma_semaphore, #tpu.memory_space<semaphore_mem>>
    %dma_start3A_175 = arith.constant 0 : i32
    %dma_start3A_176 = tpu.memref_slice %arg3[%dma_start3A_168, %add3A_167, %dma_start3A_175] : memref<4x4096x1024xf32, #tpu.memory_space<hbm>> -> memref<1x32x1024xf32, #tpu.memory_space<hbm>>
    %dma_start3A_177 = tpu.memref_squeeze %dma_start3A_176 : memref<1x32x1024xf32, #tpu.memory_space<hbm>> -> memref<32x1024xf32, #tpu.memory_space<hbm>>
    tpu.enqueue_dma source(%arg5 : memref<32x1024xf32, #tpu.memory_space<vmem>>) target(%dma_start3A_177 : memref<32x1024xf32, #tpu.memory_space<hbm>>) target_semaphore(%dma_start3A_174 : memref<!tpu.dma_semaphore, #tpu.memory_space<semaphore_mem>>)
    %dma_wait3A_178 = arith.constant 0 : i32
    %dma_wait3A_179 = arith.constant 0 : i32
    %dma_wait3A_180 = tpu.memref_slice %arg2[%add3A_122, %dma_wait3A_179] : memref<4097x1024xf32, #tpu.memory_space<hbm>> -> memref<32x1024xf32, #tpu.memory_space<hbm>>
    %dma_wait3A_181 = tpu.memref_slice %arg6[%dma_wait3A_178] : memref<2x!tpu.dma_semaphore, #tpu.memory_space<semaphore_mem>> -> memref<1x!tpu.dma_semaphore, #tpu.memory_space<semaphore_mem>>
    %dma_wait3A_182 = tpu.memref_squeeze %dma_wait3A_181 : memref<1x!tpu.dma_semaphore, #tpu.memory_space<semaphore_mem>> -> memref<!tpu.dma_semaphore, #tpu.memory_space<semaphore_mem>>
    %dma_wait3A_183 = arith.constant 0 : i32
    %dma_wait3A_184 = tpu.memref_slice %arg2[%add3A_122, %dma_wait3A_183] : memref<4097x1024xf32, #tpu.memory_space<hbm>> -> memref<32x1024xf32, #tpu.memory_space<hbm>>
    tpu.wait_dma2 semaphore(%dma_wait3A_182 : memref<!tpu.dma_semaphore, #tpu.memory_space<semaphore_mem>>) src(%dma_wait3A_184 : memref<32x1024xf32, #tpu.memory_space<hbm>>) dst(%arg4 : memref<32x1024xf32, #tpu.memory_space<vmem>>)
    %dma_wait3A_185 = arith.constant 0 : i32
    %dma_wait3A_186 = arith.constant 1 : i32
    %dma_wait3A_187 = arith.constant 0 : i32
    %dma_wait3A_188 = tpu.memref_slice %arg3[%dma_wait3A_185, %add3A_131, %dma_wait3A_187] : memref<4x4096x1024xf32, #tpu.memory_space<hbm>> -> memref<1x32x1024xf32, #tpu.memory_space<hbm>>
    %dma_wait3A_189 = tpu.memref_squeeze %dma_wait3A_188 : memref<1x32x1024xf32, #tpu.memory_space<hbm>> -> memref<32x1024xf32, #tpu.memory_space<hbm>>
    %dma_wait3A_190 = tpu.memref_slice %arg7[%dma_wait3A_186] : memref<2x!tpu.dma_semaphore, #tpu.memory_space<semaphore_mem>> -> memref<1x!tpu.dma_semaphore, #tpu.memory_space<semaphore_mem>>
    %dma_wait3A_191 = tpu.memref_squeeze %dma_wait3A_190 : memref<1x!tpu.dma_semaphore, #tpu.memory_space<semaphore_mem>> -> memref<!tpu.dma_semaphore, #tpu.memory_space<semaphore_mem>>
    %dma_wait3A_192 = arith.constant 0 : i32
    %dma_wait3A_193 = tpu.memref_slice %arg3[%dma_wait3A_185, %add3A_131, %dma_wait3A_192] : memref<4x4096x1024xf32, #tpu.memory_space<hbm>> -> memref<1x32x1024xf32, #tpu.memory_space<hbm>>
    %dma_wait3A_194 = tpu.memref_squeeze %dma_wait3A_193 : memref<1x32x1024xf32, #tpu.memory_space<hbm>> -> memref<32x1024xf32, #tpu.memory_space<hbm>>
    tpu.wait_dma2 semaphore(%dma_wait3A_191 : memref<!tpu.dma_semaphore, #tpu.memory_space<semaphore_mem>>) src(%arg5 : memref<32x1024xf32, #tpu.memory_space<vmem>>) dst(%dma_wait3A_194 : memref<32x1024xf32, #tpu.memory_space<hbm>>)
    %dma_wait3A_195 = arith.constant 1 : i32
    %dma_wait3A_196 = arith.constant 1 : i32
    %dma_wait3A_197 = arith.constant 0 : i32
    %dma_wait3A_198 = tpu.memref_slice %arg3[%dma_wait3A_195, %add3A_143, %dma_wait3A_197] : memref<4x4096x1024xf32, #tpu.memory_space<hbm>> -> memref<1x32x1024xf32, #tpu.memory_space<hbm>>
    %dma_wait3A_199 = tpu.memref_squeeze %dma_wait3A_198 : memref<1x32x1024xf32, #tpu.memory_space<hbm>> -> memref<32x1024xf32, #tpu.memory_space<hbm>>
    %dma_wait3A_200 = tpu.memref_slice %arg7[%dma_wait3A_196] : memref<2x!tpu.dma_semaphore, #tpu.memory_space<semaphore_mem>> -> memref<1x!tpu.dma_semaphore, #tpu.memory_space<semaphore_mem>>
    %dma_wait3A_201 = tpu.memref_squeeze %dma_wait3A_200 : memref<1x!tpu.dma_semaphore, #tpu.memory_space<semaphore_mem>> -> memref<!tpu.dma_semaphore, #tpu.memory_space<semaphore_mem>>
    %dma_wait3A_202 = arith.constant 0 : i32
    %dma_wait3A_203 = tpu.memref_slice %arg3[%dma_wait3A_195, %add3A_143, %dma_wait3A_202] : memref<4x4096x1024xf32, #tpu.memory_space<hbm>> -> memref<1x32x1024xf32, #tpu.memory_space<hbm>>
    %dma_wait3A_204 = tpu.memref_squeeze %dma_wait3A_203 : memref<1x32x1024xf32, #tpu.memory_space<hbm>> -> memref<32x1024xf32, #tpu.memory_space<hbm>>
    tpu.wait_dma2 semaphore(%dma_wait3A_201 : memref<!tpu.dma_semaphore, #tpu.memory_space<semaphore_mem>>) src(%arg5 : memref<32x1024xf32, #tpu.memory_space<vmem>>) dst(%dma_wait3A_204 : memref<32x1024xf32, #tpu.memory_space<hbm>>)
    %dma_wait3A_205 = arith.constant 2 : i32
    %dma_wait3A_206 = arith.constant 1 : i32
    %dma_wait3A_207 = arith.constant 0 : i32
    %dma_wait3A_208 = tpu.memref_slice %arg3[%dma_wait3A_205, %add3A_155, %dma_wait3A_207] : memref<4x4096x1024xf32, #tpu.memory_space<hbm>> -> memref<1x32x1024xf32, #tpu.memory_space<hbm>>
    %dma_wait3A_209 = tpu.memref_squeeze %dma_wait3A_208 : memref<1x32x1024xf32, #tpu.memory_space<hbm>> -> memref<32x1024xf32, #tpu.memory_space<hbm>>
    %dma_wait3A_210 = tpu.memref_slice %arg7[%dma_wait3A_206] : memref<2x!tpu.dma_semaphore, #tpu.memory_space<semaphore_mem>> -> memref<1x!tpu.dma_semaphore, #tpu.memory_space<semaphore_mem>>
    %dma_wait3A_211 = tpu.memref_squeeze %dma_wait3A_210 : memref<1x!tpu.dma_semaphore, #tpu.memory_space<semaphore_mem>> -> memref<!tpu.dma_semaphore, #tpu.memory_space<semaphore_mem>>
    %dma_wait3A_212 = arith.constant 0 : i32
    %dma_wait3A_213 = tpu.memref_slice %arg3[%dma_wait3A_205, %add3A_155, %dma_wait3A_212] : memref<4x4096x1024xf32, #tpu.memory_space<hbm>> -> memref<1x32x1024xf32, #tpu.memory_space<hbm>>
    %dma_wait3A_214 = tpu.memref_squeeze %dma_wait3A_213 : memref<1x32x1024xf32, #tpu.memory_space<hbm>> -> memref<32x1024xf32, #tpu.memory_space<hbm>>
    tpu.wait_dma2 semaphore(%dma_wait3A_211 : memref<!tpu.dma_semaphore, #tpu.memory_space<semaphore_mem>>) src(%arg5 : memref<32x1024xf32, #tpu.memory_space<vmem>>) dst(%dma_wait3A_214 : memref<32x1024xf32, #tpu.memory_space<hbm>>)
    %dma_wait3A_215 = arith.constant 3 : i32
    %dma_wait3A_216 = arith.constant 1 : i32
    %dma_wait3A_217 = arith.constant 0 : i32
    %dma_wait3A_218 = tpu.memref_slice %arg3[%dma_wait3A_215, %add3A_167, %dma_wait3A_217] : memref<4x4096x1024xf32, #tpu.memory_space<hbm>> -> memref<1x32x1024xf32, #tpu.memory_space<hbm>>
    %dma_wait3A_219 = tpu.memref_squeeze %dma_wait3A_218 : memref<1x32x1024xf32, #tpu.memory_space<hbm>> -> memref<32x1024xf32, #tpu.memory_space<hbm>>
    %dma_wait3A_220 = tpu.memref_slice %arg7[%dma_wait3A_216] : memref<2x!tpu.dma_semaphore, #tpu.memory_space<semaphore_mem>> -> memref<1x!tpu.dma_semaphore, #tpu.memory_space<semaphore_mem>>
    %dma_wait3A_221 = tpu.memref_squeeze %dma_wait3A_220 : memref<1x!tpu.dma_semaphore, #tpu.memory_space<semaphore_mem>> -> memref<!tpu.dma_semaphore, #tpu.memory_space<semaphore_mem>>
    %dma_wait3A_222 = arith.constant 0 : i32
    %dma_wait3A_223 = tpu.memref_slice %arg3[%dma_wait3A_215, %add3A_167, %dma_wait3A_222] : memref<4x4096x1024xf32, #tpu.memory_space<hbm>> -> memref<1x32x1024xf32, #tpu.memory_space<hbm>>
    %dma_wait3A_224 = tpu.memref_squeeze %dma_wait3A_223 : memref<1x32x1024xf32, #tpu.memory_space<hbm>> -> memref<32x1024xf32, #tpu.memory_space<hbm>>
    tpu.wait_dma2 semaphore(%dma_wait3A_221 : memref<!tpu.dma_semaphore, #tpu.memory_space<semaphore_mem>>) src(%arg5 : memref<32x1024xf32, #tpu.memory_space<vmem>>) dst(%dma_wait3A_224 : memref<32x1024xf32, #tpu.memory_space<hbm>>)
    %add3A_225 = arith.constant 96 : i32
    %add3A_226 = arith.addi %mul3A_2, %add3A_225 : i32
    %dma_start3A_227 = arith.constant 1 : i32
    %dma_start3A_228 = arith.constant 0 : i32
    %dma_start3A_229 = tpu.memref_slice %arg2[%add3A_226, %dma_start3A_228] : memref<4097x1024xf32, #tpu.memory_space<hbm>> -> memref<32x1024xf32, #tpu.memory_space<hbm>>
    %dma_start3A_230 = tpu.memref_slice %arg6[%dma_start3A_227] : memref<2x!tpu.dma_semaphore, #tpu.memory_space<semaphore_mem>> -> memref<1x!tpu.dma_semaphore, #tpu.memory_space<semaphore_mem>>
    %dma_start3A_231 = tpu.memref_squeeze %dma_start3A_230 : memref<1x!tpu.dma_semaphore, #tpu.memory_space<semaphore_mem>> -> memref<!tpu.dma_semaphore, #tpu.memory_space<semaphore_mem>>
    %dma_start3A_232 = arith.constant 0 : i32
    %dma_start3A_233 = tpu.memref_slice %arg2[%add3A_226, %dma_start3A_232] : memref<4097x1024xf32, #tpu.memory_space<hbm>> -> memref<32x1024xf32, #tpu.memory_space<hbm>>
    tpu.enqueue_dma source(%dma_start3A_233 : memref<32x1024xf32, #tpu.memory_space<hbm>>) target(%arg5 : memref<32x1024xf32, #tpu.memory_space<vmem>>) target_semaphore(%dma_start3A_231 : memref<!tpu.dma_semaphore, #tpu.memory_space<semaphore_mem>>)
    %add3A_234 = arith.constant 64 : i32
    %add3A_235 = arith.addi %mul3A_2, %add3A_234 : i32
    %dma_start3A_236 = arith.constant 0 : i32
    %dma_start3A_237 = arith.constant 0 : i32
    %dma_start3A_238 = arith.constant 0 : i32
    %dma_start3A_239 = tpu.memref_slice %arg3[%dma_start3A_236, %add3A_235, %dma_start3A_238] : memref<4x4096x1024xf32, #tpu.memory_space<hbm>> -> memref<1x32x1024xf32, #tpu.memory_space<hbm>>
    %dma_start3A_240 = tpu.memref_squeeze %dma_start3A_239 : memref<1x32x1024xf32, #tpu.memory_space<hbm>> -> memref<32x1024xf32, #tpu.memory_space<hbm>>
    %dma_start3A_241 = tpu.memref_slice %arg7[%dma_start3A_237] : memref<2x!tpu.dma_semaphore, #tpu.memory_space<semaphore_mem>> -> memref<1x!tpu.dma_semaphore, #tpu.memory_space<semaphore_mem>>
    %dma_start3A_242 = tpu.memref_squeeze %dma_start3A_241 : memref<1x!tpu.dma_semaphore, #tpu.memory_space<semaphore_mem>> -> memref<!tpu.dma_semaphore, #tpu.memory_space<semaphore_mem>>
    %dma_start3A_243 = arith.constant 0 : i32
    %dma_start3A_244 = tpu.memref_slice %arg3[%dma_start3A_236, %add3A_235, %dma_start3A_243] : memref<4x4096x1024xf32, #tpu.memory_space<hbm>> -> memref<1x32x1024xf32, #tpu.memory_space<hbm>>
    %dma_start3A_245 = tpu.memref_squeeze %dma_start3A_244 : memref<1x32x1024xf32, #tpu.memory_space<hbm>> -> memref<32x1024xf32, #tpu.memory_space<hbm>>
    tpu.enqueue_dma source(%arg4 : memref<32x1024xf32, #tpu.memory_space<vmem>>) target(%dma_start3A_245 : memref<32x1024xf32, #tpu.memory_space<hbm>>) target_semaphore(%dma_start3A_242 : memref<!tpu.dma_semaphore, #tpu.memory_space<semaphore_mem>>)
    %add3A_246 = arith.constant 64 : i32
    %add3A_247 = arith.addi %mul3A_2, %add3A_246 : i32
    %dma_start3A_248 = arith.constant 1 : i32
    %dma_start3A_249 = arith.constant 0 : i32
    %dma_start3A_250 = arith.constant 0 : i32
    %dma_start3A_251 = tpu.memref_slice %arg3[%dma_start3A_248, %add3A_247, %dma_start3A_250] : memref<4x4096x1024xf32, #tpu.memory_space<hbm>> -> memref<1x32x1024xf32, #tpu.memory_space<hbm>>
    %dma_start3A_252 = tpu.memref_squeeze %dma_start3A_251 : memref<1x32x1024xf32, #tpu.memory_space<hbm>> -> memref<32x1024xf32, #tpu.memory_space<hbm>>
    %dma_start3A_253 = tpu.memref_slice %arg7[%dma_start3A_249] : memref<2x!tpu.dma_semaphore, #tpu.memory_space<semaphore_mem>> -> memref<1x!tpu.dma_semaphore, #tpu.memory_space<semaphore_mem>>
    %dma_start3A_254 = tpu.memref_squeeze %dma_start3A_253 : memref<1x!tpu.dma_semaphore, #tpu.memory_space<semaphore_mem>> -> memref<!tpu.dma_semaphore, #tpu.memory_space<semaphore_mem>>
    %dma_start3A_255 = arith.constant 0 : i32
    %dma_start3A_256 = tpu.memref_slice %arg3[%dma_start3A_248, %add3A_247, %dma_start3A_255] : memref<4x4096x1024xf32, #tpu.memory_space<hbm>> -> memref<1x32x1024xf32, #tpu.memory_space<hbm>>
    %dma_start3A_257 = tpu.memref_squeeze %dma_start3A_256 : memref<1x32x1024xf32, #tpu.memory_space<hbm>> -> memref<32x1024xf32, #tpu.memory_space<hbm>>
    tpu.enqueue_dma source(%arg4 : memref<32x1024xf32, #tpu.memory_space<vmem>>) target(%dma_start3A_257 : memref<32x1024xf32, #tpu.memory_space<hbm>>) target_semaphore(%dma_start3A_254 : memref<!tpu.dma_semaphore, #tpu.memory_space<semaphore_mem>>)
    %add3A_258 = arith.constant 64 : i32
    %add3A_259 = arith.addi %mul3A_2, %add3A_258 : i32
    %dma_start3A_260 = arith.constant 2 : i32
    %dma_start3A_261 = arith.constant 0 : i32
    %dma_start3A_262 = arith.constant 0 : i32
    %dma_start3A_263 = tpu.memref_slice %arg3[%dma_start3A_260, %add3A_259, %dma_start3A_262] : memref<4x4096x1024xf32, #tpu.memory_space<hbm>> -> memref<1x32x1024xf32, #tpu.memory_space<hbm>>
    %dma_start3A_264 = tpu.memref_squeeze %dma_start3A_263 : memref<1x32x1024xf32, #tpu.memory_space<hbm>> -> memref<32x1024xf32, #tpu.memory_space<hbm>>
    %dma_start3A_265 = tpu.memref_slice %arg7[%dma_start3A_261] : memref<2x!tpu.dma_semaphore, #tpu.memory_space<semaphore_mem>> -> memref<1x!tpu.dma_semaphore, #tpu.memory_space<semaphore_mem>>
    %dma_start3A_266 = tpu.memref_squeeze %dma_start3A_265 : memref<1x!tpu.dma_semaphore, #tpu.memory_space<semaphore_mem>> -> memref<!tpu.dma_semaphore, #tpu.memory_space<semaphore_mem>>
    %dma_start3A_267 = arith.constant 0 : i32
    %dma_start3A_268 = tpu.memref_slice %arg3[%dma_start3A_260, %add3A_259, %dma_start3A_267] : memref<4x4096x1024xf32, #tpu.memory_space<hbm>> -> memref<1x32x1024xf32, #tpu.memory_space<hbm>>
    %dma_start3A_269 = tpu.memref_squeeze %dma_start3A_268 : memref<1x32x1024xf32, #tpu.memory_space<hbm>> -> memref<32x1024xf32, #tpu.memory_space<hbm>>
    tpu.enqueue_dma source(%arg4 : memref<32x1024xf32, #tpu.memory_space<vmem>>) target(%dma_start3A_269 : memref<32x1024xf32, #tpu.memory_space<hbm>>) target_semaphore(%dma_start3A_266 : memref<!tpu.dma_semaphore, #tpu.memory_space<semaphore_mem>>)
    %add3A_270 = arith.constant 64 : i32
    %add3A_271 = arith.addi %mul3A_2, %add3A_270 : i32
    %dma_start3A_272 = arith.constant 3 : i32
    %dma_start3A_273 = arith.constant 0 : i32
    %dma_start3A_274 = arith.constant 0 : i32
    %dma_start3A_275 = tpu.memref_slice %arg3[%dma_start3A_272, %add3A_271, %dma_start3A_274] : memref<4x4096x1024xf32, #tpu.memory_space<hbm>> -> memref<1x32x1024xf32, #tpu.memory_space<hbm>>
    %dma_start3A_276 = tpu.memref_squeeze %dma_start3A_275 : memref<1x32x1024xf32, #tpu.memory_space<hbm>> -> memref<32x1024xf32, #tpu.memory_space<hbm>>
    %dma_start3A_277 = tpu.memref_slice %arg7[%dma_start3A_273] : memref<2x!tpu.dma_semaphore, #tpu.memory_space<semaphore_mem>> -> memref<1x!tpu.dma_semaphore, #tpu.memory_space<semaphore_mem>>
    %dma_start3A_278 = tpu.memref_squeeze %dma_start3A_277 : memref<1x!tpu.dma_semaphore, #tpu.memory_space<semaphore_mem>> -> memref<!tpu.dma_semaphore, #tpu.memory_space<semaphore_mem>>
    %dma_start3A_279 = arith.constant 0 : i32
    %dma_start3A_280 = tpu.memref_slice %arg3[%dma_start3A_272, %add3A_271, %dma_start3A_279] : memref<4x4096x1024xf32, #tpu.memory_space<hbm>> -> memref<1x32x1024xf32, #tpu.memory_space<hbm>>
    %dma_start3A_281 = tpu.memref_squeeze %dma_start3A_280 : memref<1x32x1024xf32, #tpu.memory_space<hbm>> -> memref<32x1024xf32, #tpu.memory_space<hbm>>
    tpu.enqueue_dma source(%arg4 : memref<32x1024xf32, #tpu.memory_space<vmem>>) target(%dma_start3A_281 : memref<32x1024xf32, #tpu.memory_space<hbm>>) target_semaphore(%dma_start3A_278 : memref<!tpu.dma_semaphore, #tpu.memory_space<semaphore_mem>>)
    %dma_wait3A_282 = arith.constant 1 : i32
    %dma_wait3A_283 = arith.constant 0 : i32
    %dma_wait3A_284 = tpu.memref_slice %arg2[%add3A_226, %dma_wait3A_283] : memref<4097x1024xf32, #tpu.memory_space<hbm>> -> memref<32x1024xf32, #tpu.memory_space<hbm>>
    %dma_wait3A_285 = tpu.memref_slice %arg6[%dma_wait3A_282] : memref<2x!tpu.dma_semaphore, #tpu.memory_space<semaphore_mem>> -> memref<1x!tpu.dma_semaphore, #tpu.memory_space<semaphore_mem>>
    %dma_wait3A_286 = tpu.memref_squeeze %dma_wait3A_285 : memref<1x!tpu.dma_semaphore, #tpu.memory_space<semaphore_mem>> -> memref<!tpu.dma_semaphore, #tpu.memory_space<semaphore_mem>>
    %dma_wait3A_287 = arith.constant 0 : i32
    %dma_wait3A_288 = tpu.memref_slice %arg2[%add3A_226, %dma_wait3A_287] : memref<4097x1024xf32, #tpu.memory_space<hbm>> -> memref<32x1024xf32, #tpu.memory_space<hbm>>
    tpu.wait_dma2 semaphore(%dma_wait3A_286 : memref<!tpu.dma_semaphore, #tpu.memory_space<semaphore_mem>>) src(%dma_wait3A_288 : memref<32x1024xf32, #tpu.memory_space<hbm>>) dst(%arg5 : memref<32x1024xf32, #tpu.memory_space<vmem>>)
    %add3A_289 = arith.constant 96 : i32
    %add3A_290 = arith.addi %mul3A_2, %add3A_289 : i32
    %dma_start3A_291 = arith.constant 0 : i32
    %dma_start3A_292 = arith.constant 1 : i32
    %dma_start3A_293 = arith.constant 0 : i32
    %dma_start3A_294 = tpu.memref_slice %arg3[%dma_start3A_291, %add3A_290, %dma_start3A_293] : memref<4x4096x1024xf32, #tpu.memory_space<hbm>> -> memref<1x32x1024xf32, #tpu.memory_space<hbm>>
    %dma_start3A_295 = tpu.memref_squeeze %dma_start3A_294 : memref<1x32x1024xf32, #tpu.memory_space<hbm>> -> memref<32x1024xf32, #tpu.memory_space<hbm>>
    %dma_start3A_296 = tpu.memref_slice %arg7[%dma_start3A_292] : memref<2x!tpu.dma_semaphore, #tpu.memory_space<semaphore_mem>> -> memref<1x!tpu.dma_semaphore, #tpu.memory_space<semaphore_mem>>
    %dma_start3A_297 = tpu.memref_squeeze %dma_start3A_296 : memref<1x!tpu.dma_semaphore, #tpu.memory_space<semaphore_mem>> -> memref<!tpu.dma_semaphore, #tpu.memory_space<semaphore_mem>>
    %dma_start3A_298 = arith.constant 0 : i32
    %dma_start3A_299 = tpu.memref_slice %arg3[%dma_start3A_291, %add3A_290, %dma_start3A_298] : memref<4x4096x1024xf32, #tpu.memory_space<hbm>> -> memref<1x32x1024xf32, #tpu.memory_space<hbm>>
    %dma_start3A_300 = tpu.memref_squeeze %dma_start3A_299 : memref<1x32x1024xf32, #tpu.memory_space<hbm>> -> memref<32x1024xf32, #tpu.memory_space<hbm>>
    tpu.enqueue_dma source(%arg5 : memref<32x1024xf32, #tpu.memory_space<vmem>>) target(%dma_start3A_300 : memref<32x1024xf32, #tpu.memory_space<hbm>>) target_semaphore(%dma_start3A_297 : memref<!tpu.dma_semaphore, #tpu.memory_space<semaphore_mem>>)
    %add3A_301 = arith.constant 96 : i32
    %add3A_302 = arith.addi %mul3A_2, %add3A_301 : i32
    %dma_start3A_303 = arith.constant 1 : i32
    %dma_start3A_304 = arith.constant 1 : i32
    %dma_start3A_305 = arith.constant 0 : i32
    %dma_start3A_306 = tpu.memref_slice %arg3[%dma_start3A_303, %add3A_302, %dma_start3A_305] : memref<4x4096x1024xf32, #tpu.memory_space<hbm>> -> memref<1x32x1024xf32, #tpu.memory_space<hbm>>
    %dma_start3A_307 = tpu.memref_squeeze %dma_start3A_306 : memref<1x32x1024xf32, #tpu.memory_space<hbm>> -> memref<32x1024xf32, #tpu.memory_space<hbm>>
    %dma_start3A_308 = tpu.memref_slice %arg7[%dma_start3A_304] : memref<2x!tpu.dma_semaphore, #tpu.memory_space<semaphore_mem>> -> memref<1x!tpu.dma_semaphore, #tpu.memory_space<semaphore_mem>>
    %dma_start3A_309 = tpu.memref_squeeze %dma_start3A_308 : memref<1x!tpu.dma_semaphore, #tpu.memory_space<semaphore_mem>> -> memref<!tpu.dma_semaphore, #tpu.memory_space<semaphore_mem>>
    %dma_start3A_310 = arith.constant 0 : i32
    %dma_start3A_311 = tpu.memref_slice %arg3[%dma_start3A_303, %add3A_302, %dma_start3A_310] : memref<4x4096x1024xf32, #tpu.memory_space<hbm>> -> memref<1x32x1024xf32, #tpu.memory_space<hbm>>
    %dma_start3A_312 = tpu.memref_squeeze %dma_start3A_311 : memref<1x32x1024xf32, #tpu.memory_space<hbm>> -> memref<32x1024xf32, #tpu.memory_space<hbm>>
    tpu.enqueue_dma source(%arg5 : memref<32x1024xf32, #tpu.memory_space<vmem>>) target(%dma_start3A_312 : memref<32x1024xf32, #tpu.memory_space<hbm>>) target_semaphore(%dma_start3A_309 : memref<!tpu.dma_semaphore, #tpu.memory_space<semaphore_mem>>)
    %add3A_313 = arith.constant 96 : i32
    %add3A_314 = arith.addi %mul3A_2, %add3A_313 : i32
    %dma_start3A_315 = arith.constant 2 : i32
    %dma_start3A_316 = arith.constant 1 : i32
    %dma_start3A_317 = arith.constant 0 : i32
    %dma_start3A_318 = tpu.memref_slice %arg3[%dma_start3A_315, %add3A_314, %dma_start3A_317] : memref<4x4096x1024xf32, #tpu.memory_space<hbm>> -> memref<1x32x1024xf32, #tpu.memory_space<hbm>>
    %dma_start3A_319 = tpu.memref_squeeze %dma_start3A_318 : memref<1x32x1024xf32, #tpu.memory_space<hbm>> -> memref<32x1024xf32, #tpu.memory_space<hbm>>
    %dma_start3A_320 = tpu.memref_slice %arg7[%dma_start3A_316] : memref<2x!tpu.dma_semaphore, #tpu.memory_space<semaphore_mem>> -> memref<1x!tpu.dma_semaphore, #tpu.memory_space<semaphore_mem>>
    %dma_start3A_321 = tpu.memref_squeeze %dma_start3A_320 : memref<1x!tpu.dma_semaphore, #tpu.memory_space<semaphore_mem>> -> memref<!tpu.dma_semaphore, #tpu.memory_space<semaphore_mem>>
    %dma_start3A_322 = arith.constant 0 : i32
    %dma_start3A_323 = tpu.memref_slice %arg3[%dma_start3A_315, %add3A_314, %dma_start3A_322] : memref<4x4096x1024xf32, #tpu.memory_space<hbm>> -> memref<1x32x1024xf32, #tpu.memory_space<hbm>>
    %dma_start3A_324 = tpu.memref_squeeze %dma_start3A_323 : memref<1x32x1024xf32, #tpu.memory_space<hbm>> -> memref<32x1024xf32, #tpu.memory_space<hbm>>
    tpu.enqueue_dma source(%arg5 : memref<32x1024xf32, #tpu.memory_space<vmem>>) target(%dma_start3A_324 : memref<32x1024xf32, #tpu.memory_space<hbm>>) target_semaphore(%dma_start3A_321 : memref<!tpu.dma_semaphore, #tpu.memory_space<semaphore_mem>>)
    %add3A_325 = arith.constant 96 : i32
    %add3A_326 = arith.addi %mul3A_2, %add3A_325 : i32
    %dma_start3A_327 = arith.constant 3 : i32
    %dma_start3A_328 = arith.constant 1 : i32
    %dma_start3A_329 = arith.constant 0 : i32
    %dma_start3A_330 = tpu.memref_slice %arg3[%dma_start3A_327, %add3A_326, %dma_start3A_329] : memref<4x4096x1024xf32, #tpu.memory_space<hbm>> -> memref<1x32x1024xf32, #tpu.memory_space<hbm>>
    %dma_start3A_331 = tpu.memref_squeeze %dma_start3A_330 : memref<1x32x1024xf32, #tpu.memory_space<hbm>> -> memref<32x1024xf32, #tpu.memory_space<hbm>>
    %dma_start3A_332 = tpu.memref_slice %arg7[%dma_start3A_328] : memref<2x!tpu.dma_semaphore, #tpu.memory_space<semaphore_mem>> -> memref<1x!tpu.dma_semaphore, #tpu.memory_space<semaphore_mem>>
    %dma_start3A_333 = tpu.memref_squeeze %dma_start3A_332 : memref<1x!tpu.dma_semaphore, #tpu.memory_space<semaphore_mem>> -> memref<!tpu.dma_semaphore, #tpu.memory_space<semaphore_mem>>
    %dma_start3A_334 = arith.constant 0 : i32
    %dma_start3A_335 = tpu.memref_slice %arg3[%dma_start3A_327, %add3A_326, %dma_start3A_334] : memref<4x4096x1024xf32, #tpu.memory_space<hbm>> -> memref<1x32x1024xf32, #tpu.memory_space<hbm>>
    %dma_start3A_336 = tpu.memref_squeeze %dma_start3A_335 : memref<1x32x1024xf32, #tpu.memory_space<hbm>> -> memref<32x1024xf32, #tpu.memory_space<hbm>>
    tpu.enqueue_dma source(%arg5 : memref<32x1024xf32, #tpu.memory_space<vmem>>) target(%dma_start3A_336 : memref<32x1024xf32, #tpu.memory_space<hbm>>) target_semaphore(%dma_start3A_333 : memref<!tpu.dma_semaphore, #tpu.memory_space<semaphore_mem>>)
    %dma_wait3A_337 = arith.constant 0 : i32
    %dma_wait3A_338 = arith.constant 0 : i32
    %dma_wait3A_339 = arith.constant 0 : i32
    %dma_wait3A_340 = tpu.memref_slice %arg3[%dma_wait3A_337, %add3A_235, %dma_wait3A_339] : memref<4x4096x1024xf32, #tpu.memory_space<hbm>> -> memref<1x32x1024xf32, #tpu.memory_space<hbm>>
    %dma_wait3A_341 = tpu.memref_squeeze %dma_wait3A_340 : memref<1x32x1024xf32, #tpu.memory_space<hbm>> -> memref<32x1024xf32, #tpu.memory_space<hbm>>
    %dma_wait3A_342 = tpu.memref_slice %arg7[%dma_wait3A_338] : memref<2x!tpu.dma_semaphore, #tpu.memory_space<semaphore_mem>> -> memref<1x!tpu.dma_semaphore, #tpu.memory_space<semaphore_mem>>
    %dma_wait3A_343 = tpu.memref_squeeze %dma_wait3A_342 : memref<1x!tpu.dma_semaphore, #tpu.memory_space<semaphore_mem>> -> memref<!tpu.dma_semaphore, #tpu.memory_space<semaphore_mem>>
    %dma_wait3A_344 = arith.constant 0 : i32
    %dma_wait3A_345 = tpu.memref_slice %arg3[%dma_wait3A_337, %add3A_235, %dma_wait3A_344] : memref<4x4096x1024xf32, #tpu.memory_space<hbm>> -> memref<1x32x1024xf32, #tpu.memory_space<hbm>>
    %dma_wait3A_346 = tpu.memref_squeeze %dma_wait3A_345 : memref<1x32x1024xf32, #tpu.memory_space<hbm>> -> memref<32x1024xf32, #tpu.memory_space<hbm>>
    tpu.wait_dma2 semaphore(%dma_wait3A_343 : memref<!tpu.dma_semaphore, #tpu.memory_space<semaphore_mem>>) src(%arg4 : memref<32x1024xf32, #tpu.memory_space<vmem>>) dst(%dma_wait3A_346 : memref<32x1024xf32, #tpu.memory_space<hbm>>)
    %dma_wait3A_347 = arith.constant 1 : i32
    %dma_wait3A_348 = arith.constant 0 : i32
    %dma_wait3A_349 = arith.constant 0 : i32
    %dma_wait3A_350 = tpu.memref_slice %arg3[%dma_wait3A_347, %add3A_247, %dma_wait3A_349] : memref<4x4096x1024xf32, #tpu.memory_space<hbm>> -> memref<1x32x1024xf32, #tpu.memory_space<hbm>>
    %dma_wait3A_351 = tpu.memref_squeeze %dma_wait3A_350 : memref<1x32x1024xf32, #tpu.memory_space<hbm>> -> memref<32x1024xf32, #tpu.memory_space<hbm>>
    %dma_wait3A_352 = tpu.memref_slice %arg7[%dma_wait3A_348] : memref<2x!tpu.dma_semaphore, #tpu.memory_space<semaphore_mem>> -> memref<1x!tpu.dma_semaphore, #tpu.memory_space<semaphore_mem>>
    %dma_wait3A_353 = tpu.memref_squeeze %dma_wait3A_352 : memref<1x!tpu.dma_semaphore, #tpu.memory_space<semaphore_mem>> -> memref<!tpu.dma_semaphore, #tpu.memory_space<semaphore_mem>>
    %dma_wait3A_354 = arith.constant 0 : i32
    %dma_wait3A_355 = tpu.memref_slice %arg3[%dma_wait3A_347, %add3A_247, %dma_wait3A_354] : memref<4x4096x1024xf32, #tpu.memory_space<hbm>> -> memref<1x32x1024xf32, #tpu.memory_space<hbm>>
    %dma_wait3A_356 = tpu.memref_squeeze %dma_wait3A_355 : memref<1x32x1024xf32, #tpu.memory_space<hbm>> -> memref<32x1024xf32, #tpu.memory_space<hbm>>
    tpu.wait_dma2 semaphore(%dma_wait3A_353 : memref<!tpu.dma_semaphore, #tpu.memory_space<semaphore_mem>>) src(%arg4 : memref<32x1024xf32, #tpu.memory_space<vmem>>) dst(%dma_wait3A_356 : memref<32x1024xf32, #tpu.memory_space<hbm>>)
    %dma_wait3A_357 = arith.constant 2 : i32
    %dma_wait3A_358 = arith.constant 0 : i32
    %dma_wait3A_359 = arith.constant 0 : i32
    %dma_wait3A_360 = tpu.memref_slice %arg3[%dma_wait3A_357, %add3A_259, %dma_wait3A_359] : memref<4x4096x1024xf32, #tpu.memory_space<hbm>> -> memref<1x32x1024xf32, #tpu.memory_space<hbm>>
    %dma_wait3A_361 = tpu.memref_squeeze %dma_wait3A_360 : memref<1x32x1024xf32, #tpu.memory_space<hbm>> -> memref<32x1024xf32, #tpu.memory_space<hbm>>
    %dma_wait3A_362 = tpu.memref_slice %arg7[%dma_wait3A_358] : memref<2x!tpu.dma_semaphore, #tpu.memory_space<semaphore_mem>> -> memref<1x!tpu.dma_semaphore, #tpu.memory_space<semaphore_mem>>
    %dma_wait3A_363 = tpu.memref_squeeze %dma_wait3A_362 : memref<1x!tpu.dma_semaphore, #tpu.memory_space<semaphore_mem>> -> memref<!tpu.dma_semaphore, #tpu.memory_space<semaphore_mem>>
    %dma_wait3A_364 = arith.constant 0 : i32
    %dma_wait3A_365 = tpu.memref_slice %arg3[%dma_wait3A_357, %add3A_259, %dma_wait3A_364] : memref<4x4096x1024xf32, #tpu.memory_space<hbm>> -> memref<1x32x1024xf32, #tpu.memory_space<hbm>>
    %dma_wait3A_366 = tpu.memref_squeeze %dma_wait3A_365 : memref<1x32x1024xf32, #tpu.memory_space<hbm>> -> memref<32x1024xf32, #tpu.memory_space<hbm>>
    tpu.wait_dma2 semaphore(%dma_wait3A_363 : memref<!tpu.dma_semaphore, #tpu.memory_space<semaphore_mem>>) src(%arg4 : memref<32x1024xf32, #tpu.memory_space<vmem>>) dst(%dma_wait3A_366 : memref<32x1024xf32, #tpu.memory_space<hbm>>)
    %dma_wait3A_367 = arith.constant 3 : i32
    %dma_wait3A_368 = arith.constant 0 : i32
    %dma_wait3A_369 = arith.constant 0 : i32
    %dma_wait3A_370 = tpu.memref_slice %arg3[%dma_wait3A_367, %add3A_271, %dma_wait3A_369] : memref<4x4096x1024xf32, #tpu.memory_space<hbm>> -> memref<1x32x1024xf32, #tpu.memory_space<hbm>>
    %dma_wait3A_371 = tpu.memref_squeeze %dma_wait3A_370 : memref<1x32x1024xf32, #tpu.memory_space<hbm>> -> memref<32x1024xf32, #tpu.memory_space<hbm>>
    %dma_wait3A_372 = tpu.memref_slice %arg7[%dma_wait3A_368] : memref<2x!tpu.dma_semaphore, #tpu.memory_space<semaphore_mem>> -> memref<1x!tpu.dma_semaphore, #tpu.memory_space<semaphore_mem>>
    %dma_wait3A_373 = tpu.memref_squeeze %dma_wait3A_372 : memref<1x!tpu.dma_semaphore, #tpu.memory_space<semaphore_mem>> -> memref<!tpu.dma_semaphore, #tpu.memory_space<semaphore_mem>>
    %dma_wait3A_374 = arith.constant 0 : i32
    %dma_wait3A_375 = tpu.memref_slice %arg3[%dma_wait3A_367, %add3A_271, %dma_wait3A_374] : memref<4x4096x1024xf32, #tpu.memory_space<hbm>> -> memref<1x32x1024xf32, #tpu.memory_space<hbm>>
    %dma_wait3A_376 = tpu.memref_squeeze %dma_wait3A_375 : memref<1x32x1024xf32, #tpu.memory_space<hbm>> -> memref<32x1024xf32, #tpu.memory_space<hbm>>
    tpu.wait_dma2 semaphore(%dma_wait3A_373 : memref<!tpu.dma_semaphore, #tpu.memory_space<semaphore_mem>>) src(%arg4 : memref<32x1024xf32, #tpu.memory_space<vmem>>) dst(%dma_wait3A_376 : memref<32x1024xf32, #tpu.memory_space<hbm>>)
    %dma_wait3A_377 = arith.constant 0 : i32
    %dma_wait3A_378 = arith.constant 1 : i32
    %dma_wait3A_379 = arith.constant 0 : i32
    %dma_wait3A_380 = tpu.memref_slice %arg3[%dma_wait3A_377, %add3A_290, %dma_wait3A_379] : memref<4x4096x1024xf32, #tpu.memory_space<hbm>> -> memref<1x32x1024xf32, #tpu.memory_space<hbm>>
    %dma_wait3A_381 = tpu.memref_squeeze %dma_wait3A_380 : memref<1x32x1024xf32, #tpu.memory_space<hbm>> -> memref<32x1024xf32, #tpu.memory_space<hbm>>
    %dma_wait3A_382 = tpu.memref_slice %arg7[%dma_wait3A_378] : memref<2x!tpu.dma_semaphore, #tpu.memory_space<semaphore_mem>> -> memref<1x!tpu.dma_semaphore, #tpu.memory_space<semaphore_mem>>
    %dma_wait3A_383 = tpu.memref_squeeze %dma_wait3A_382 : memref<1x!tpu.dma_semaphore, #tpu.memory_space<semaphore_mem>> -> memref<!tpu.dma_semaphore, #tpu.memory_space<semaphore_mem>>
    %dma_wait3A_384 = arith.constant 0 : i32
    %dma_wait3A_385 = tpu.memref_slice %arg3[%dma_wait3A_377, %add3A_290, %dma_wait3A_384] : memref<4x4096x1024xf32, #tpu.memory_space<hbm>> -> memref<1x32x1024xf32, #tpu.memory_space<hbm>>
    %dma_wait3A_386 = tpu.memref_squeeze %dma_wait3A_385 : memref<1x32x1024xf32, #tpu.memory_space<hbm>> -> memref<32x1024xf32, #tpu.memory_space<hbm>>
    tpu.wait_dma2 semaphore(%dma_wait3A_383 : memref<!tpu.dma_semaphore, #tpu.memory_space<semaphore_mem>>) src(%arg5 : memref<32x1024xf32, #tpu.memory_space<vmem>>) dst(%dma_wait3A_386 : memref<32x1024xf32, #tpu.memory_space<hbm>>)
    %dma_wait3A_387 = arith.constant 1 : i32
    %dma_wait3A_388 = arith.constant 1 : i32
    %dma_wait3A_389 = arith.constant 0 : i32
    %dma_wait3A_390 = tpu.memref_slice %arg3[%dma_wait3A_387, %add3A_302, %dma_wait3A_389] : memref<4x4096x1024xf32, #tpu.memory_space<hbm>> -> memref<1x32x1024xf32, #tpu.memory_space<hbm>>
    %dma_wait3A_391 = tpu.memref_squeeze %dma_wait3A_390 : memref<1x32x1024xf32, #tpu.memory_space<hbm>> -> memref<32x1024xf32, #tpu.memory_space<hbm>>
    %dma_wait3A_392 = tpu.memref_slice %arg7[%dma_wait3A_388] : memref<2x!tpu.dma_semaphore, #tpu.memory_space<semaphore_mem>> -> memref<1x!tpu.dma_semaphore, #tpu.memory_space<semaphore_mem>>
    %dma_wait3A_393 = tpu.memref_squeeze %dma_wait3A_392 : memref<1x!tpu.dma_semaphore, #tpu.memory_space<semaphore_mem>> -> memref<!tpu.dma_semaphore, #tpu.memory_space<semaphore_mem>>
    %dma_wait3A_394 = arith.constant 0 : i32
    %dma_wait3A_395 = tpu.memref_slice %arg3[%dma_wait3A_387, %add3A_302, %dma_wait3A_394] : memref<4x4096x1024xf32, #tpu.memory_space<hbm>> -> memref<1x32x1024xf32, #tpu.memory_space<hbm>>
    %dma_wait3A_396 = tpu.memref_squeeze %dma_wait3A_395 : memref<1x32x1024xf32, #tpu.memory_space<hbm>> -> memref<32x1024xf32, #tpu.memory_space<hbm>>
    tpu.wait_dma2 semaphore(%dma_wait3A_393 : memref<!tpu.dma_semaphore, #tpu.memory_space<semaphore_mem>>) src(%arg5 : memref<32x1024xf32, #tpu.memory_space<vmem>>) dst(%dma_wait3A_396 : memref<32x1024xf32, #tpu.memory_space<hbm>>)
    %dma_wait3A_397 = arith.constant 2 : i32
    %dma_wait3A_398 = arith.constant 1 : i32
    %dma_wait3A_399 = arith.constant 0 : i32
    %dma_wait3A_400 = tpu.memref_slice %arg3[%dma_wait3A_397, %add3A_314, %dma_wait3A_399] : memref<4x4096x1024xf32, #tpu.memory_space<hbm>> -> memref<1x32x1024xf32, #tpu.memory_space<hbm>>
    %dma_wait3A_401 = tpu.memref_squeeze %dma_wait3A_400 : memref<1x32x1024xf32, #tpu.memory_space<hbm>> -> memref<32x1024xf32, #tpu.memory_space<hbm>>
    %dma_wait3A_402 = tpu.memref_slice %arg7[%dma_wait3A_398] : memref<2x!tpu.dma_semaphore, #tpu.memory_space<semaphore_mem>> -> memref<1x!tpu.dma_semaphore, #tpu.memory_space<semaphore_mem>>
    %dma_wait3A_403 = tpu.memref_squeeze %dma_wait3A_402 : memref<1x!tpu.dma_semaphore, #tpu.memory_space<semaphore_mem>> -> memref<!tpu.dma_semaphore, #tpu.memory_space<semaphore_mem>>
    %dma_wait3A_404 = arith.constant 0 : i32
    %dma_wait3A_405 = tpu.memref_slice %arg3[%dma_wait3A_397, %add3A_314, %dma_wait3A_404] : memref<4x4096x1024xf32, #tpu.memory_space<hbm>> -> memref<1x32x1024xf32, #tpu.memory_space<hbm>>
    %dma_wait3A_406 = tpu.memref_squeeze %dma_wait3A_405 : memref<1x32x1024xf32, #tpu.memory_space<hbm>> -> memref<32x1024xf32, #tpu.memory_space<hbm>>
    tpu.wait_dma2 semaphore(%dma_wait3A_403 : memref<!tpu.dma_semaphore, #tpu.memory_space<semaphore_mem>>) src(%arg5 : memref<32x1024xf32, #tpu.memory_space<vmem>>) dst(%dma_wait3A_406 : memref<32x1024xf32, #tpu.memory_space<hbm>>)
    %dma_wait3A_407 = arith.constant 3 : i32
    %dma_wait3A_408 = arith.constant 1 : i32
    %dma_wait3A_409 = arith.constant 0 : i32
    %dma_wait3A_410 = tpu.memref_slice %arg3[%dma_wait3A_407, %add3A_326, %dma_wait3A_409] : memref<4x4096x1024xf32, #tpu.memory_space<hbm>> -> memref<1x32x1024xf32, #tpu.memory_space<hbm>>
    %dma_wait3A_411 = tpu.memref_squeeze %dma_wait3A_410 : memref<1x32x1024xf32, #tpu.memory_space<hbm>> -> memref<32x1024xf32, #tpu.memory_space<hbm>>
    %dma_wait3A_412 = tpu.memref_slice %arg7[%dma_wait3A_408] : memref<2x!tpu.dma_semaphore, #tpu.memory_space<semaphore_mem>> -> memref<1x!tpu.dma_semaphore, #tpu.memory_space<semaphore_mem>>
    %dma_wait3A_413 = tpu.memref_squeeze %dma_wait3A_412 : memref<1x!tpu.dma_semaphore, #tpu.memory_space<semaphore_mem>> -> memref<!tpu.dma_semaphore, #tpu.memory_space<semaphore_mem>>
    %dma_wait3A_414 = arith.constant 0 : i32
    %dma_wait3A_415 = tpu.memref_slice %arg3[%dma_wait3A_407, %add3A_326, %dma_wait3A_414] : memref<4x4096x1024xf32, #tpu.memory_space<hbm>> -> memref<1x32x1024xf32, #tpu.memory_space<hbm>>
    %dma_wait3A_416 = tpu.memref_squeeze %dma_wait3A_415 : memref<1x32x1024xf32, #tpu.memory_space<hbm>> -> memref<32x1024xf32, #tpu.memory_space<hbm>>
    tpu.wait_dma2 semaphore(%dma_wait3A_413 : memref<!tpu.dma_semaphore, #tpu.memory_space<semaphore_mem>>) src(%arg5 : memref<32x1024xf32, #tpu.memory_space<vmem>>) dst(%dma_wait3A_416 : memref<32x1024xf32, #tpu.memory_space<hbm>>)
    return
  }
}

</mosaic_0001>

<sc_bundles>
// kernel: kernel.3.cloned.1.call-start
scs
__scs_entry_jumppad:
0x0: {  	(pc) =	sbr.rel $0x88, $3  }
0x1: {  	(tag) =	ssettag $0x0;
	lr =	simm.s32 $0x1  }
0x2: {  	[smem:$0x3FA0] =	sst lr;
	_ =	strace $0xD0000000  }
0x3: {  	_ = 	snop  }
0x4: {  	_ = 	snop  }
0x5: {  	_ = 	snop  }
0x6: {  	_ = 	snop  }
0x7: {  	_ = 	snop  }
__scs_overlays_trampoline_lowered:
0x8: {  	[smem:$0x3FAF] =	sst s0  }
0x9: {  	[smem:$0x3FB0] =	sst s1  }
0xa: {  	[smem:$0x3FB1] =	sst s2  }
0xb: {  	[smem:$0x3FB2] =	sst s3  }
0xc: {  	[smem:$0x3FB3] =	sst s4  }
0xd: {  	[smem:$0x3FB4] =	sst s5  }
0xe: {  	[smem:$0x3FB5] =	sst s6  }
0xf: {  	[smem:$0x3FB6] =	sst s7  }
0x10: {  	[smem:$0x3FB7] =	sst s8  }
0x11: {  	[smem:$0x3FB8] =	sst s9;
	s0 =	simm.s32 @!p0 $0x0  }
0x12: {  	s1 =	sld [smem:$0x3F9E];
	s0 =	simm.s32 @p0 $0x1  }
0x13: {  	[smem:$0x3FB9] =	sst s0;
	s0 =	simm.s32 @!p1 $0x0  }
0x14: {  	s2 =	sld [smem:$0x3F9D];
	s0 =	simm.s32 @p1 $0x1  }
0x15: {  	[smem:$0x3FBA] =	sst s0;
	s0 =	simm.s32 @!p2 $0x0  }
0x16: {  	s3 =	sld [smem:$0x3FDB];
	s0 =	simm.s32 @p2 $0x1  }
0x17: {  	s4 =	simm.s32 $0x1BF5;
	[smem:$0x3FBC] =	sst s0  }
0x18: {  	s0 =	sld [smem:$0x3F9F];
	_ =	swait.ge [sflag:s4], $0x0  }
0x19: {  	s7 =	sld [smem:$0x3FA0]  }
0x1a: {  	s8 =	sadd.s32 $0xFFFFE003, lr  }
0x1b: {  	s9 =	sadd.s32 $0xFFFFFEF7, lr;
	s5 =	simm.s32 $0xFFFFFFFF;
	p2 =	slt.u32 s8, $0xFFFFF086  }
0x1c: {  	p1 =	slt.u32 s9, $0xF7A;
	s5 =	simm.s32 @!p2 $0x0  }
0x1d: {  	s5 =	simm.s32 @p1 $0x1;
	p0 =	seq.s32 s7, s2  }
0x1e: {  	s7 =	smul.u32 @!p0 $0xF7A, s2;
	p2 =	seq.s32 @!p0 s5, $0x0  }
0x1f: {  	s9 =	smul.u32 $0xF7A, s1;
	s8 =	simm.s32 @!p0 $0x1BF5;
	p2 =	por !p2, p0  }
0x20: {  	[sflag:s8] =	ssyncset.s32 @!p0 $0xFFFFF086;
	s6 =	sadd.s32 @!p0 s3, s7;
	s7 =	simm.s32 @!p0 $0x108  }
0x21: {  	s3 =	sadd.s32 s3, s9;
	s6 =	sadd.s32 @!p0 $0x88, s6;
	s7 =	simm.s32 @p2 $0x1082  }
0x22: {  	[simem:s7], [sflag:s8] =	dma.local @!p0 [hbm:s6], $0xF7A  }
0x23: {  	s9 =	sor.u32 $0xD0000000, s2;
	s6 =	simm.s32 $0x108;
	_ =	swait.ge @!p0 [sflag:s8], $0x0  }
0x24: {  	s3 =	sadd.s32 $0x88, s3;
	s6 =	simm.s32 @!p1 $0x1082;
	[sflag:s4] =	ssyncset.s32 $0xFFFFF086  }
0x25: {  	[simem:s6], [sflag:s4] =	dma.local [hbm:s3], $0xF7A  }
0x26: {  	[smem:$0x3FA0] =	sst s1;
	(tag) =	ssettag s2;
	_ =	strace s9  }
0x27: {  	s1 =	sld [smem:$0x3FB0]  }
0x28: {  	s2 =	sld [smem:$0x3FB1]  }
0x29: {  	s4 =	sld [smem:$0x3FB3]  }
0x2a: {  	p0 =	seq.s32 s5, $0x0;
	s5 =	sld [smem:$0x3FB4]  }
0x2b: {  	s6 =	sld [smem:$0x3FB5]  }
0x2c: {  	s7 =	sld [smem:$0x3FB6]  }
0x2d: {  	s3 =	simm.s32 $0x108;
	s8 =	sld [smem:$0x3FB7]  }
0x2e: {  	s3 =	simm.s32 @!p0 $0x1082;
	s9 =	sld [smem:$0x3FB8]  }
0x2f: {  	lr =	sadd.s32 s0, s3;
	s0 =	sld [smem:$0x3FAF]  }
0x30: {  	s3 =	sld [smem:$0x3FB2]  }
0x31: {  	[smem:$0x3FBB] =	sst s10  }
0x32: {  	s10 =	sld [smem:$0x3FB9];
	_ =	sdelay $0x3  }
0x33: {  	p0 =	seq.s32 s10, $0x1;
	s10 =	sld [smem:$0x3FBB];
	_ =	sdelay $0x3  }
0x34: {  	[smem:$0x3FBB] =	sst s10  }
0x35: {  	s10 =	sld [smem:$0x3FBA];
	_ =	sdelay $0x3  }
0x36: {  	p1 =	seq.s32 s10, $0x1;
	s10 =	sld [smem:$0x3FBB];
	_ =	sdelay $0x3  }
0x37: {  	[smem:$0x3FBB] =	sst s10  }
0x38: {  	s10 =	sld [smem:$0x3FBC]  }
0x39: {  	_ = 	snop;
	(pc) =	sbr.ind lr, $3  }
0x3a: {  	_ = 	snop  }
0x3b: {  	_ = 	snop  }
0x3c: {  	p2 =	seq.s32 s10, $0x1;
	s10 =	sld [smem:$0x3FBB]  }
0x3d: {  	_ =	shalt  }
0x3e: {  	_ =	shalt  }
0x3f: {  	_ =	shalt  }
0x40: {  	_ =	shalt  }
0x41: {  	_ =	shalt  }
0x42: {  	_ =	shalt  }
0x43: {  	_ =	shalt  }
0x44: {  	_ =	shalt  }
0x45: {  	_ =	shalt  }
0x46: {  	_ =	shalt  }
0x47: {  	_ =	shalt  }
0x48: {  	_ =	shalt  }
0x49: {  	_ =	shalt  }
0x4a: {  	_ =	shalt  }
0x4b: {  	_ =	shalt  }
0x4c: {  	_ =	shalt  }
0x4d: {  	_ =	shalt  }
0x4e: {  	_ =	shalt  }
0x4f: {  	_ =	shalt  }
0x50: {  	_ =	shalt  }
0x51: {  	_ =	shalt  }
0x52: {  	_ =	shalt  }
0x53: {  	_ =	shalt  }
0x54: {  	_ =	shalt  }
0x55: {  	_ =	shalt  }
0x56: {  	_ =	shalt  }
0x57: {  	_ =	shalt  }
0x58: {  	_ =	shalt  }
0x59: {  	_ =	shalt  }
0x5a: {  	_ =	shalt  }
0x5b: {  	_ =	shalt  }
0x5c: {  	_ =	shalt  }
0x5d: {  	_ =	shalt  }
0x5e: {  	_ =	shalt  }
0x5f: {  	_ =	shalt  }
0x60: {  	_ =	shalt  }
0x61: {  	_ =	shalt  }
0x62: {  	_ =	shalt  }
0x63: {  	_ =	shalt  }
0x64: {  	_ =	shalt  }
0x65: {  	_ =	shalt  }
0x66: {  	_ =	shalt  }
0x67: {  	_ =	shalt  }
0x68: {  	_ =	shalt  }
0x69: {  	_ =	shalt  }
0x6a: {  	_ =	shalt  }
0x6b: {  	_ =	shalt  }
0x6c: {  	_ =	shalt  }
0x6d: {  	_ =	shalt  }
0x6e: {  	_ =	shalt  }
0x6f: {  	_ =	shalt  }
0x70: {  	_ =	shalt  }
0x71: {  	_ =	shalt  }
0x72: {  	_ =	shalt  }
0x73: {  	_ =	shalt  }
0x74: {  	_ =	shalt  }
0x75: {  	_ =	shalt  }
0x76: {  	_ =	shalt  }
0x77: {  	_ =	shalt  }
0x78: {  	_ =	shalt  }
0x79: {  	_ =	shalt  }
0x7a: {  	_ =	shalt  }
0x7b: {  	_ =	shalt  }
0x7c: {  	_ =	shalt  }
0x7d: {  	_ =	shalt  }
0x7e: {  	_ =	shalt  }
0x7f: {  	_ =	shalt  }
0x80: {  	_ =	shalt  }
0x81: {  	_ =	shalt  }
0x82: {  	_ =	shalt  }
0x83: {  	_ =	shalt  }
0x84: {  	_ =	shalt  }
0x85: {  	_ =	shalt  }
0x86: {  	_ =	shalt  }
0x87: {  	_ =	shalt  }
.Lfunc_end0:
.L_simem_size_0:
called_computation_lowered:
.L_overlay_start_0:
0x88: {  	s2 =	sld [smem:$0x3FD9]  }
0x89: {  	s3 =	sld [smem:$0x3FFE];
	_ =	sdelay $0x1  }
0x8a: {  	s1 =	srdreg.scid  }
0x8b: {  	s0 =	sand.u32 $0x1, s1  }
0x8c: {  	s18 =	sshll.u32 s0, $0xA;
	s2 =	sadd.s32 s3, s2  }
0x8d: {  	s2 =	sadd.s32 s2, s18  }
0x8e: {  	[smem:$0x3FC7] =	sst s2  }
0x8f: {  	_ = 	snop  }
0x90: {  	s2 =	sld [smem:$0x3FC9]  }
0x91: {  	s19 =	sld [smem:$0x3FD0];
	(tm) =	ssettm $0x1  }
0x92: {  	s4 =	sld [smem:$0x3FFB];
	_ =	sdelay $0x3  }
0x93: {  	_ =	strace s4  }
0x94: {  	s4 =	sld [smem:$0x3FFC];
	_ =	sdelay $0x3  }
0x95: {  	_ =	strace s4  }
0x96: {  	s4 =	sld [smem:$0x3FFD];
	_ =	sdelay $0x3  }
0x97: {  	_ =	strace s4  }
0x98: {  	_ =	strace $0x8FFFFFFF  }
0x99: {  	s20 =	sld [smem:$0x3FDB];
	_ =	sdelay $0x1  }
0x9a: {  	s5 =	simm.s32 $_scs_section_size  }
0x9b: {  	s6 =	simm.s32 $_size__tile_overlayer_lowered;
	s7 =	simm.s32 $_tile_overlayer_lowered  }
0x9c: {  	s23 =	simm.s32 $0x1BFF;
	s22 =	sshll.u32 s7, $0x1;
	s4 =	sadd.s32 s5, s20  }
0x9d: {  	s8 =	simm.s32 $0x0;
	s21 =	sshll.u32 s6, $0x1;
	s6 =	sadd.s32 s22, s4  }
0x9e: {  	[timem:s8], [sflag:s23] =	dma.local [hbm:s6], s21  }
0x9f: {  	_ =	swait.ge [sflag:s23], s21  }
0xa0: {  	s5 =	ssub.s32 $0x0, s21;
	[sflag:s23] =	ssyncset.done $0x0  }
0xa1: {  	[sflag:s23] =	ssyncadd.s32 s5;
	_ =	sdelay $0x1  }
0xa2: {  	s24 =	simm.s32 $0x1B8B  }
0xa3: {  	_ =	swait.ge [sflag:s24], $0x1  }
0xa4: {  	[sflag:s24] =	ssyncset.done $0x0  }
0xa5: {  	s25 =	simm.s32 $0x1B8E;
	[sflag:s24] =	ssyncadd.s32 $0xFFFFFFFF  }
0xa6: {  	s26 =	simm.s32 $execute0_lowered;
	[smem:$0x3FD2] =	sst s25  }
0xa7: {  	s5 =	sshll.u32 s26, $0x1;
	_ =	strace $0x80000046;
	[dreg:$0x1] =	wrdreg $0xFFFFFFFF  }
0xa8: {  	s28 =	simm.s32 $_size_execute0_lowered;
	s4 =	sadd.s32 s4, s5;
	[dreg:$0x0] =	wrdreg $0x0  }
0xa9: {  	s5 =	sshll.u32 s28, $0x1;
	[dreg:$0x2] =	wrdreg s4  }
0xaa: {  	[dreg:$0x3] =	wrdreg s5  }
0xab: {  	[dreg:$0x4] =	wrdreg $0xC0  }
0xac: {  	_ =	task [dreg:s8], $0x5FFFF  }
0xad: {  	[dreg:$0x1] =	wrdreg $0xFFFFFFFF  }
0xae: {  	[dreg:$0x0] =	wrdreg $0x60  }
0xaf: {  	[dreg:$0x2] =	wrdreg s2  }
0xb0: {  	[dreg:$0x3] =	wrdreg s19  }
0xb1: {  	[dreg:$0x4] =	wrdreg $0x9  }
0xb2: {  	_ =	task.clear_ibuf [dreg:s8], $0x5FFFF;
	_ =	strace $0x90000046  }
0xb3: {  	s29 =	simm.s32 $0x9;
	_ =	strace $0x80000048  }
0xb4: {  	_ =	swait.ge [sflag:s29], $0x1  }
0xb5: {  	[sflag:s29] =	ssyncadd.s32 $0xFFFFFFFF  }
0xb6: {  	_ =	strace $0x90000048  }
0xb7: {  	_ =	sfence  }
0xb8: {  	s30 =	sld [smem:$0x0];
	_ =	sdelay $0x2  }
0xb9: {  	s31 =	sshll.u32 s1, $0xD;
	s1 =	sshrl.u32 s1, $0x2  }
0xba: {  	s3 =	sand.u32 $0x4000, s31;
	s1 =	sadd.s32 s1, s30  }
0xbb: {  	s0 =	sor.u32 s3, s0;
	s1 =	sshll.u32 s1, $0x11  }
0xbc: {  	s0 =	sor.u32 s1, s0  }
0xbd: {  	s0 =	sadd.s32 $0x8F2B, s0  }
0xbe: {  	[sflag:s0] =	ssyncadd.remote.s32 $0x1  }
0xbf: {  	_ =	sfence.sel $0xFFFF  }
0xc0: {  	[dreg:$0x0] =	wrdreg $0xFFFFFFFF;
	(pc) =	sbr.abs _section_cstart, $3  }
0xc1: {  	[dreg:$0x1] =	wrdreg $0xFFFFFFFF  }
0xc2: {  	_ =	task.clear_ibuf [dreg:s8], $0x2FFFF;
	_ =	strace $0x9FFFFFFF  }
0xc3: {  	(tm) =	ssettm $0x7FFFFFFF  }
tec
execute0_lowered:
.L_overlay_start_1:
0x0: {  	(tag) =	ssettag $0x1  }
0x1: {  	s19 =	rddreg [dreg:$0x0]  }
0x2: {  	s24 =	rddreg [dreg:$0x1];
	s2 =	srdreg.scid  }
0x3: {  	s0 =	rddreg [dreg:$0x2];
	s1 =	stileid.u32;
	s29 =	sand.u32 $0x1, s2  }
0x4: {  	s2 =	simm.s32 $0x0;
	s3 =	sshll.u32 s1, $0xF;
	s4 =	sshll.u32 s29, $0xE  }
0x5: {  	[smem:$0x7FF] =	sst s2;
	s20 =	sor.u32 s4, s3  }
0x6: {  	_ =	strace $0x80000047;
	s4 =	simm.s32 $0x1;
	s3 =	sadd.s32 s19, s20  }
0x7: {  	[tilespmem:s2], [sflag:$0x1] =	stream.linear.gather [hbm4b:s3+s2], $0x8000, $0x38;
	[tilespmem:$0x10000] =	vst v63  }
0x8: {  	_ =	swait.ge [sflag:s4], $0x8000  }
0x9: {  	s14 =	sor.u32 $0x1000, s20;
	[sflag:s4] =	ssyncset.done $0x0  }
0xa: {  	s6 =	simm.s32 $0x8000;
	s5 =	sadd.s32 s19, s14;
	[sflag:s4] =	ssyncadd.s32 $0xFFFF8000  }
0xb: {  	[tilespmem:s6], [sflag:$0x2] =	stream.linear.gather [hbm4b:s5+s2], $0x8000, $0x38;
	[tilespmem:$0x10000] =	vst v63  }
0xc: {  	s7 =	sadd.s32 s24, s20  }
0xd: {  	[hbm4b:s7+s2] =	stream.linear.scatter [tilespmem:s2], [sflag:$0x3], $0x8000, $0x38;
	[tilespmem:$0x10000] =	vst v63  }
0xe: {  	s8 =	sadd.s32 $0x80000, s7  }
0xf: {  	[hbm4b:s8+s2] =	stream.linear.scatter [tilespmem:s2], [sflag:$0x3], $0x8000, $0x38;
	[tilespmem:$0x10000] =	vst v63  }
0x10: {  	s9 =	sadd.s32 $0x100000, s7  }
0x11: {  	[hbm4b:s9+s2] =	stream.linear.scatter [tilespmem:s2], [sflag:$0x3], $0x8000, $0x38;
	[tilespmem:$0x10000] =	vst v63  }
0x12: {  	s11 =	simm.s32 $0x2;
	s10 =	sadd.s32 $0x180000, s7  }
0x13: {  	[hbm4b:s10+s2] =	stream.linear.scatter [tilespmem:s2], [sflag:$0x3], $0x8000, $0x38;
	[tilespmem:$0x10000] =	vst v63  }
0x14: {  	_ =	swait.ge [sflag:s11], $0x8000  }
0x15: {  	[sflag:s11] =	ssyncset.done $0x0  }
0x16: {  	s12 =	simm.s32 $0x3;
	[sflag:s11] =	ssyncadd.s32 $0xFFFF8000  }
0x17: {  	_ =	swait.ge [sflag:s12], $0x8000  }
0x18: {  	[sflag:s12] =	ssyncset.done $0x0  }
0x19: {  	[sflag:s12] =	ssyncadd.s32 $0xFFFF8000  }
0x1a: {  	_ =	swait.ge [sflag:s12], $0x8000  }
0x1b: {  	[sflag:s12] =	ssyncset.done $0x0  }
0x1c: {  	[sflag:s12] =	ssyncadd.s32 $0xFFFF8000  }
0x1d: {  	_ =	swait.ge [sflag:s12], $0x8000  }
0x1e: {  	[sflag:s12] =	ssyncset.done $0x0  }
0x1f: {  	[sflag:s12] =	ssyncadd.s32 $0xFFFF8000  }
0x20: {  	_ =	swait.ge [sflag:s12], $0x8000  }
0x21: {  	s21 =	sor.u32 $0x2000, s20;
	[sflag:s12] =	ssyncset.done $0x0  }
0x22: {  	s13 =	sadd.s32 s19, s21;
	[sflag:s12] =	ssyncadd.s32 $0xFFFF8000  }
0x23: {  	[tilespmem:s2], [sflag:$0x1] =	stream.linear.gather [hbm4b:s13+s2], $0x8000, $0x38;
	[tilespmem:$0x10000] =	vst v63  }
0x24: {  	s14 =	sadd.s32 s24, s14  }
0x25: {  	[hbm4b:s14+s2] =	stream.linear.scatter [tilespmem:s6], [sflag:$0x4], $0x8000, $0x38;
	[tilespmem:$0x10000] =	vst v63  }
0x26: {  	s15 =	sadd.s32 $0x81000, s7  }
0x27: {  	[hbm4b:s15+s2] =	stream.linear.scatter [tilespmem:s6], [sflag:$0x4], $0x8000, $0x38;
	[tilespmem:$0x10000] =	vst v63  }
0x28: {  	s16 =	sadd.s32 $0x101000, s7  }
0x29: {  	[hbm4b:s16+s2] =	stream.linear.scatter [tilespmem:s6], [sflag:$0x4], $0x8000, $0x38;
	[tilespmem:$0x10000] =	vst v63  }
0x2a: {  	s17 =	sadd.s32 $0x181000, s7  }
0x2b: {  	[hbm4b:s17+s2] =	stream.linear.scatter [tilespmem:s6], [sflag:$0x4], $0x8000, $0x38;
	[tilespmem:$0x10000] =	vst v63  }
0x2c: {  	_ =	swait.ge [sflag:s4], $0x8000  }
0x2d: {  	[sflag:s4] =	ssyncset.done $0x0  }
0x2e: {  	s18 =	simm.s32 $0x4;
	[sflag:s4] =	ssyncadd.s32 $0xFFFF8000  }
0x2f: {  	_ =	swait.ge [sflag:s18], $0x8000  }
0x30: {  	[sflag:s18] =	ssyncset.done $0x0  }
0x31: {  	[sflag:s18] =	ssyncadd.s32 $0xFFFF8000  }
0x32: {  	_ =	swait.ge [sflag:s18], $0x8000  }
0x33: {  	[sflag:s18] =	ssyncset.done $0x0  }
0x34: {  	[sflag:s18] =	ssyncadd.s32 $0xFFFF8000  }
0x35: {  	_ =	swait.ge [sflag:s18], $0x8000  }
0x36: {  	[sflag:s18] =	ssyncset.done $0x0  }
0x37: {  	[sflag:s18] =	ssyncadd.s32 $0xFFFF8000  }
0x38: {  	_ =	swait.ge [sflag:s18], $0x8000  }
0x39: {  	s25 =	sor.u32 $0x3000, s20;
	[sflag:s18] =	ssyncset.done $0x0  }
0x3a: {  	s19 =	sadd.s32 s19, s25;
	[sflag:s18] =	ssyncadd.s32 $0xFFFF8000  }
0x3b: {  	[tilespmem:s6], [sflag:$0x2] =	stream.linear.gather [hbm4b:s19+s2], $0x8000, $0x38;
	[tilespmem:$0x10000] =	vst v63  }
0x3c: {  	s20 =	sadd.s32 s24, s21  }
0x3d: {  	[hbm4b:s20+s2] =	stream.linear.scatter [tilespmem:s2], [sflag:$0x3], $0x8000, $0x38;
	[tilespmem:$0x10000] =	vst v63  }
0x3e: {  	s21 =	sadd.s32 $0x82000, s7  }
0x3f: {  	[hbm4b:s21+s2] =	stream.linear.scatter [tilespmem:s2], [sflag:$0x3], $0x8000, $0x38;
	[tilespmem:$0x10000] =	vst v63  }
0x40: {  	s22 =	sadd.s32 $0x102000, s7  }
0x41: {  	[hbm4b:s22+s2] =	stream.linear.scatter [tilespmem:s2], [sflag:$0x3], $0x8000, $0x38;
	[tilespmem:$0x10000] =	vst v63  }
0x42: {  	s23 =	sadd.s32 $0x182000, s7  }
0x43: {  	[hbm4b:s23+s2] =	stream.linear.scatter [tilespmem:s2], [sflag:$0x3], $0x8000, $0x38;
	[tilespmem:$0x10000] =	vst v63  }
0x44: {  	_ =	swait.ge [sflag:s11], $0x8000  }
0x45: {  	[sflag:s11] =	ssyncset.done $0x0  }
0x46: {  	s24 =	sadd.s32 s24, s25;
	[sflag:s11] =	ssyncadd.s32 $0xFFFF8000  }
0x47: {  	[hbm4b:s24+s2] =	stream.linear.scatter [tilespmem:s6], [sflag:$0x4], $0x8000, $0x38;
	[tilespmem:$0x10000] =	vst v63  }
0x48: {  	s25 =	sadd.s32 $0x83000, s7  }
0x49: {  	[hbm4b:s25+s2] =	stream.linear.scatter [tilespmem:s6], [sflag:$0x4], $0x8000, $0x38;
	[tilespmem:$0x10000] =	vst v63  }
0x4a: {  	s26 =	sadd.s32 $0x103000, s7  }
0x4b: {  	[hbm4b:s26+s2] =	stream.linear.scatter [tilespmem:s6], [sflag:$0x4], $0x8000, $0x38;
	[tilespmem:$0x10000] =	vst v63  }
0x4c: {  	s28 =	sadd.s32 $0x183000, s7  }
0x4d: {  	[hbm4b:s28+s2] =	stream.linear.scatter [tilespmem:s6], [sflag:$0x4], $0x8000, $0x38;
	[tilespmem:$0x10000] =	vst v63  }
0x4e: {  	_ =	swait.ge [sflag:s12], $0x8000  }
0x4f: {  	[sflag:s12] =	ssyncset.done $0x0  }
0x50: {  	[sflag:s12] =	ssyncadd.s32 $0xFFFF8000  }
0x51: {  	_ =	swait.ge [sflag:s12], $0x8000  }
0x52: {  	[sflag:s12] =	ssyncset.done $0x0  }
0x53: {  	[sflag:s12] =	ssyncadd.s32 $0xFFFF8000  }
0x54: {  	_ =	swait.ge [sflag:s12], $0x8000  }
0x55: {  	[sflag:s12] =	ssyncset.done $0x0  }
0x56: {  	[sflag:s12] =	ssyncadd.s32 $0xFFFF8000  }
0x57: {  	_ =	swait.ge [sflag:s12], $0x8000  }
0x58: {  	[sflag:s12] =	ssyncset.done $0x0  }
0x59: {  	[sflag:s12] =	ssyncadd.s32 $0xFFFF8000  }
0x5a: {  	_ =	swait.ge [sflag:s18], $0x8000  }
0x5b: {  	s29 =	ssub.s32 $0x2, s29;
	[sflag:s18] =	ssyncset.done $0x0  }
0x5c: {  	s30 =	sshrl.u32 s29, $0x1;
	[sflag:s18] =	ssyncadd.s32 $0xFFFF8000  }
0x5d: {  	s29 =	ssub.s32 s29, s30;
	_ =	swait.ge [sflag:s18], $0x8000  }
0x5e: {  	s29 =	smax.u32 s29, $0x1;
	[sflag:s18] =	ssyncset.done $0x0  }
0x5f: {  	p0 =	sne.s32 s29, $0x1;
	[sflag:s18] =	ssyncadd.s32 $0xFFFF8000  }
.Ltmp0:
0x60: {  	_ =	swait.ge [sflag:s18], $0x8000;
	(pc) =	sbr.rel @!p0 .LBB2_2-.Ltmp0, $4  }
0x61: {  	[sflag:s18] =	ssyncset.done $0x0  }
0x62: {  	[sflag:s18] =	ssyncadd.s32 $0xFFFF8000  }
0x63: {  	_ =	swait.ge [sflag:s18], $0x8000  }
0x64: {  	s29 =	sadd.s32 $0xFFFFFFFF, s29;
	[sflag:s18] =	ssyncset.done $0x0  }
.LBB2_1:
0x65: {  	p0 =	sne.s32 s29, $0x1;
	s29 =	sadd.s32 $0xFFFFFFFF, s29;
	[sflag:s18] =	ssyncadd.s32 $0xFFFF8000  }
0x66: {  	[tilespmem:s2], [sflag:$0x1] =	stream.linear.gather [hbm4b:s3+s2], $0x8000, $0x38;
	[tilespmem:$0x10000] =	vst v63  }
0x67: {  	_ =	swait.ge [sflag:s4], $0x8000  }
0x68: {  	[sflag:s4] =	ssyncset.done $0x0  }
0x69: {  	[sflag:s4] =	ssyncadd.s32 $0xFFFF8000  }
0x6a: {  	[tilespmem:s6], [sflag:$0x2] =	stream.linear.gather [hbm4b:s5+s2], $0x8000, $0x38;
	[tilespmem:$0x10000] =	vst v63  }
0x6b: {  	_ = 	snop  }
0x6c: {  	[hbm4b:s7+s2] =	stream.linear.scatter [tilespmem:s2], [sflag:$0x3], $0x8000, $0x38;
	[tilespmem:$0x10000] =	vst v63  }
0x6d: {  	_ = 	snop  }
0x6e: {  	[hbm4b:s8+s2] =	stream.linear.scatter [tilespmem:s2], [sflag:$0x3], $0x8000, $0x38;
	[tilespmem:$0x10000] =	vst v63  }
0x6f: {  	_ = 	snop  }
0x70: {  	[hbm4b:s9+s2] =	stream.linear.scatter [tilespmem:s2], [sflag:$0x3], $0x8000, $0x38;
	[tilespmem:$0x10000] =	vst v63  }
0x71: {  	_ = 	snop  }
0x72: {  	[hbm4b:s10+s2] =	stream.linear.scatter [tilespmem:s2], [sflag:$0x3], $0x8000, $0x38;
	[tilespmem:$0x10000] =	vst v63  }
0x73: {  	_ =	swait.ge [sflag:s11], $0x8000  }
0x74: {  	[sflag:s11] =	ssyncset.done $0x0  }
0x75: {  	[sflag:s11] =	ssyncadd.s32 $0xFFFF8000  }
0x76: {  	_ =	swait.ge [sflag:s12], $0x8000  }
0x77: {  	[sflag:s12] =	ssyncset.done $0x0  }
0x78: {  	[sflag:s12] =	ssyncadd.s32 $0xFFFF8000  }
0x79: {  	_ =	swait.ge [sflag:s12], $0x8000  }
0x7a: {  	[sflag:s12] =	ssyncset.done $0x0  }
0x7b: {  	[sflag:s12] =	ssyncadd.s32 $0xFFFF8000  }
0x7c: {  	_ =	swait.ge [sflag:s12], $0x8000  }
0x7d: {  	[sflag:s12] =	ssyncset.done $0x0  }
0x7e: {  	[sflag:s12] =	ssyncadd.s32 $0xFFFF8000  }
0x7f: {  	_ =	swait.ge [sflag:s12], $0x8000  }
0x80: {  	[sflag:s12] =	ssyncset.done $0x0  }
0x81: {  	[sflag:s12] =	ssyncadd.s32 $0xFFFF8000  }
0x82: {  	[tilespmem:s2], [sflag:$0x1] =	stream.linear.gather [hbm4b:s13+s2], $0x8000, $0x38;
	[tilespmem:$0x10000] =	vst v63  }
0x83: {  	_ = 	snop  }
0x84: {  	[hbm4b:s14+s2] =	stream.linear.scatter [tilespmem:s6], [sflag:$0x4], $0x8000, $0x38;
	[tilespmem:$0x10000] =	vst v63  }
0x85: {  	_ = 	snop  }
0x86: {  	[hbm4b:s15+s2] =	stream.linear.scatter [tilespmem:s6], [sflag:$0x4], $0x8000, $0x38;
	[tilespmem:$0x10000] =	vst v63  }
0x87: {  	_ = 	snop  }
0x88: {  	[hbm4b:s16+s2] =	stream.linear.scatter [tilespmem:s6], [sflag:$0x4], $0x8000, $0x38;
	[tilespmem:$0x10000] =	vst v63  }
0x89: {  	_ = 	snop  }
0x8a: {  	[hbm4b:s17+s2] =	stream.linear.scatter [tilespmem:s6], [sflag:$0x4], $0x8000, $0x38;
	[tilespmem:$0x10000] =	vst v63  }
0x8b: {  	_ =	swait.ge [sflag:s4], $0x8000  }
0x8c: {  	[sflag:s4] =	ssyncset.done $0x0  }
0x8d: {  	[sflag:s4] =	ssyncadd.s32 $0xFFFF8000  }
0x8e: {  	_ =	swait.ge [sflag:s18], $0x8000  }
0x8f: {  	[sflag:s18] =	ssyncset.done $0x0  }
0x90: {  	[sflag:s18] =	ssyncadd.s32 $0xFFFF8000  }
0x91: {  	_ =	swait.ge [sflag:s18], $0x8000  }
0x92: {  	[sflag:s18] =	ssyncset.done $0x0  }
0x93: {  	[sflag:s18] =	ssyncadd.s32 $0xFFFF8000  }
0x94: {  	_ =	swait.ge [sflag:s18], $0x8000  }
0x95: {  	[sflag:s18] =	ssyncset.done $0x0  }
0x96: {  	[sflag:s18] =	ssyncadd.s32 $0xFFFF8000  }
0x97: {  	_ =	swait.ge [sflag:s18], $0x8000  }
0x98: {  	[sflag:s18] =	ssyncset.done $0x0  }
0x99: {  	[sflag:s18] =	ssyncadd.s32 $0xFFFF8000  }
0x9a: {  	[tilespmem:s6], [sflag:$0x2] =	stream.linear.gather [hbm4b:s19+s2], $0x8000, $0x38;
	[tilespmem:$0x10000] =	vst v63  }
0x9b: {  	_ = 	snop  }
0x9c: {  	[hbm4b:s20+s2] =	stream.linear.scatter [tilespmem:s2], [sflag:$0x3], $0x8000, $0x38;
	[tilespmem:$0x10000] =	vst v63  }
0x9d: {  	_ = 	snop  }
0x9e: {  	[hbm4b:s21+s2] =	stream.linear.scatter [tilespmem:s2], [sflag:$0x3], $0x8000, $0x38;
	[tilespmem:$0x10000] =	vst v63  }
0x9f: {  	_ = 	snop  }
0xa0: {  	[hbm4b:s22+s2] =	stream.linear.scatter [tilespmem:s2], [sflag:$0x3], $0x8000, $0x38;
	[tilespmem:$0x10000] =	vst v63  }
0xa1: {  	_ = 	snop  }
0xa2: {  	[hbm4b:s23+s2] =	stream.linear.scatter [tilespmem:s2], [sflag:$0x3], $0x8000, $0x38;
	[tilespmem:$0x10000] =	vst v63  }
0xa3: {  	_ =	swait.ge [sflag:s11], $0x8000  }
0xa4: {  	[sflag:s11] =	ssyncset.done $0x0  }
0xa5: {  	[sflag:s11] =	ssyncadd.s32 $0xFFFF8000  }
0xa6: {  	[hbm4b:s24+s2] =	stream.linear.scatter [tilespmem:s6], [sflag:$0x4], $0x8000, $0x38;
	[tilespmem:$0x10000] =	vst v63  }
0xa7: {  	_ = 	snop  }
0xa8: {  	[hbm4b:s25+s2] =	stream.linear.scatter [tilespmem:s6], [sflag:$0x4], $0x8000, $0x38;
	[tilespmem:$0x10000] =	vst v63  }
0xa9: {  	_ = 	snop  }
0xaa: {  	[hbm4b:s26+s2] =	stream.linear.scatter [tilespmem:s6], [sflag:$0x4], $0x8000, $0x38;
	[tilespmem:$0x10000] =	vst v63  }
0xab: {  	_ = 	snop  }
0xac: {  	[hbm4b:s28+s2] =	stream.linear.scatter [tilespmem:s6], [sflag:$0x4], $0x8000, $0x38;
	[tilespmem:$0x10000] =	vst v63  }
0xad: {  	_ =	swait.ge [sflag:s12], $0x8000  }
0xae: {  	[sflag:s12] =	ssyncset.done $0x0  }
0xaf: {  	[sflag:s12] =	ssyncadd.s32 $0xFFFF8000  }
0xb0: {  	_ =	swait.ge [sflag:s12], $0x8000  }
0xb1: {  	[sflag:s12] =	ssyncset.done $0x0  }
0xb2: {  	[sflag:s12] =	ssyncadd.s32 $0xFFFF8000  }
0xb3: {  	_ =	swait.ge [sflag:s12], $0x8000  }
0xb4: {  	[sflag:s12] =	ssyncset.done $0x0  }
0xb5: {  	[sflag:s12] =	ssyncadd.s32 $0xFFFF8000  }
0xb6: {  	_ =	swait.ge [sflag:s12], $0x8000  }
0xb7: {  	[sflag:s12] =	ssyncset.done $0x0  }
0xb8: {  	[sflag:s12] =	ssyncadd.s32 $0xFFFF8000  }
0xb9: {  	_ =	swait.ge [sflag:s18], $0x8000  }
0xba: {  	[sflag:s18] =	ssyncset.done $0x0  }
0xbb: {  	[sflag:s18] =	ssyncadd.s32 $0xFFFF8000  }
0xbc: {  	_ =	swait.ge [sflag:s18], $0x8000  }
0xbd: {  	[sflag:s18] =	ssyncset.done $0x0  }
0xbe: {  	[sflag:s18] =	ssyncadd.s32 $0xFFFF8000  }
.Ltmp1:
0xbf: {  	_ =	swait.ge [sflag:s18], $0x8000;
	(pc) =	sbr.rel @p0 .LBB2_1-.Ltmp1, $4  }
0xc0: {  	[sflag:s18] =	ssyncset.done $0x0  }
0xc1: {  	[sflag:s18] =	ssyncadd.s32 $0xFFFF8000  }
0xc2: {  	_ =	swait.ge [sflag:s18], $0x8000  }
0xc3: {  	[sflag:s18] =	ssyncset.done $0x0  }
.LBB2_2:
0xc4: {  	[sflag:s18] =	ssyncadd.s32 $0xFFFF8000  }
0xc5: {  	_ =	sfence.sel $0x180000  }
0xc6: {  	[bflag:$0x0] =	sbarrier.arrive $0xFFFF  }
0xc7: {  	p0 =	sne.s32 s1, $0x0;
	_ =	strace $0x90000047  }
0xc8: {  	s0 =	sadd.s32 @!p0 $0x100000, s0;
	[bflag:$0x2] =	sbarrier.arrive $0xFFFF  }
0xc9: {  	[sflag:s0] =	ssyncadd.tile.s32 @!p0 $0x1;
	_ =	shalt  }
.Lfunc_end2:
_tile_overlayer_lowered:
.L_overlay_start_2:
0xca: {  	(tag) =	ssettag $0x2  }
0xcb: {  	s0 =	rddreg [dreg:$0x0];
	s2 =	stileid.u32  }
0xcc: {  	s1 =	rddreg [dreg:$0x1];
	p0 =	sne.s32 s2, $0x0  }
0xcd: {  	s3 =	rddreg [dreg:$0x2];
	[bflag:$0x3] =	sbarrier.arrive $0xFFFF;
	s2 =	simm.s32 @!p0 $0x1C05  }
0xce: {  	[timem:s3], [sflag:s2] =	dma.local @!p0 [hbm:s0], s1  }
0xcf: {  	s0 =	simm.s32 @!p0 $0x5  }
0xd0: {  	_ =	swait.ge @!p0 [sflag:s0], s1  }
0xd1: {  	s1 =	ssub.s32 @!p0 $0x0, s1;
	[sflag:s0] =	ssyncset.done @!p0 $0x0  }
0xd2: {  	[sflag:s0] =	ssyncadd.s32 @!p0 s1  }
0xd3: {  	[bflag:$0x3] =	sbarrier.arrive $0xFFFF  }
0xd4: {  	_ =	shalt  }

</sc_bundles>
